<compile_context>
chip_gen: v7x
topology: tpu7x:2x2x1
jax: 0.10.2.dev20260603
libtpu: 0.0.44.dev20260713+nightly
codegen_flags: <defaults>
</compile_context>

<pallas_src>
import functools

import jax
import jax.numpy as jnp
from jax import lax
from jax.experimental import pallas as pl
from jax.experimental.pallas import tpu as pltpu
from jax.experimental.pallas import tpu_sc as plsc

N_NODE = 10000
E = 320000
D = 128
D_TAB = D + 16
R_PAD = 10240
RT = R_PAD // 16
NW = 32
CH = 128
CPW = 79
E_PAD = NW * CPW * CH
PAD_DST = N_NODE + 64


def _sc_edge_pass():
    mesh = plsc.VectorSubcoreMesh(core_axis_name="c", subcore_axis_name="s")

    @functools.partial(
        pl.kernel,
        out_type=jax.ShapeDtypeStruct((2, R_PAD, D_TAB), jnp.float32),
        mesh=mesh,
        scratch_types=[
            pltpu.VMEM((CH,), jnp.int32),
            pltpu.VMEM((CH,), jnp.int32),
            pltpu.VMEM((CH, D_TAB), jnp.float32),
            pltpu.VMEM_SHARED((R_PAD, D_TAB), jnp.float32),
            pltpu.SemaphoreType.DMA,
        ],
        compiler_params=pltpu.CompilerParams(use_tc_tiling_on_sc=False),
    )
    def k(table_hbm, src_hbm, dst_hbm, zeros_hbm, out_hbm,
          sidx, didx, rows, acc, gsem):
        c = lax.axis_index("c")
        s = lax.axis_index("s")
        wid = c * 16 + s

        pltpu.sync_copy(zeros_hbm, acc.at[pl.ds(s * RT, RT)])
        plsc.subcore_barrier()

        def body(g, _):
            off = wid * (CPW * CH) + g * CH
            pltpu.sync_copy(src_hbm.at[pl.ds(off, CH)], sidx)
            pltpu.sync_copy(dst_hbm.at[pl.ds(off, CH)], didx)
            pltpu.async_copy(table_hbm.at[sidx], rows, gsem).wait()
            pltpu.sync_copy(rows, acc.at[didx], add=True)
            return 0

        lax.fori_loop(0, CPW, body, 0)
        plsc.subcore_barrier()
        pltpu.sync_copy(acc.at[pl.ds(s * RT, RT)],
                        out_hbm.at[c, pl.ds(s * RT, RT)])

    return k


_BLK = 1280


def _tc_project_kernel(x_ref, w_ref, b_ref, o_ref):
    wh = jnp.dot(x_ref[...], w_ref[...], preferred_element_type=jnp.float32)
    o_ref[:, :D] = wh + b_ref[...]
    o_ref[:, D:] = jnp.ones((_BLK, D_TAB - D), jnp.float32)


def _tc_mean_project_kernel(a_ref, w_ref, b_ref, o_ref):
    p = a_ref[0] + a_ref[1]
    cnt = jnp.maximum(p[:, D:D + 1], 1.0)
    h = p[:, :D] / cnt
    h = jnp.where(h >= 0, h, 0.01 * h)
    wh = jnp.dot(h, w_ref[...], preferred_element_type=jnp.float32)
    o_ref[:, :D] = wh + b_ref[...]
    o_ref[:, D:] = jnp.ones((_BLK, D_TAB - D), jnp.float32)


def _tc_mean_kernel(a_ref, o_ref):
    p = a_ref[0] + a_ref[1]
    cnt = jnp.maximum(p[:, D:D + 1], 1.0)
    o_ref[...] = p[:, :D] / cnt


def _tc_project(x, w, b):
    return pl.pallas_call(
        _tc_project_kernel,
        grid=(R_PAD // _BLK,),
        in_specs=[
            pl.BlockSpec((_BLK, D), lambda i: (i, 0)),
            pl.BlockSpec((D, D), lambda i: (0, 0)),
            pl.BlockSpec((1, D), lambda i: (0, 0)),
        ],
        out_specs=pl.BlockSpec((_BLK, D_TAB), lambda i: (i, 0)),
        out_shape=jax.ShapeDtypeStruct((R_PAD, D_TAB), jnp.float32),
    )(x, w, b)


def _tc_mean_project(acc, w, b):
    return pl.pallas_call(
        _tc_mean_project_kernel,
        grid=(R_PAD // _BLK,),
        in_specs=[
            pl.BlockSpec((2, _BLK, D_TAB), lambda i: (0, i, 0)),
            pl.BlockSpec((D, D), lambda i: (0, 0)),
            pl.BlockSpec((1, D), lambda i: (0, 0)),
        ],
        out_specs=pl.BlockSpec((_BLK, D_TAB), lambda i: (i, 0)),
        out_shape=jax.ShapeDtypeStruct((R_PAD, D_TAB), jnp.float32),
    )(acc, w, b)


def _tc_mean(acc):
    return pl.pallas_call(
        _tc_mean_kernel,
        grid=(R_PAD // _BLK,),
        in_specs=[pl.BlockSpec((2, _BLK, D_TAB), lambda i: (0, i, 0))],
        out_specs=pl.BlockSpec((_BLK, D), lambda i: (i, 0)),
        out_shape=jax.ShapeDtypeStruct((R_PAD, D), jnp.float32),
    )(acc)


def kernel(src_treats, dst_treats, src_treated_by, dst_treated_by,
           embed_chemical, embed_disease,
           W1_treats, b1_treats, W1_treated_by, b1_treated_by,
           W2_treats, b2_treats, W2_treated_by, b2_treated_by):
    del embed_disease, W1_treated_by, b1_treated_by, W2_treats, b2_treats

    pad_e = E_PAD - E
    src1 = jnp.pad(src_treats, (0, pad_e))
    dst1 = jnp.pad(dst_treats, (0, pad_e), constant_values=PAD_DST)
    src2 = jnp.pad(src_treated_by, (0, pad_e))
    dst2 = jnp.pad(dst_treated_by, (0, pad_e), constant_values=PAD_DST)

    x = jnp.pad(embed_chemical, ((0, R_PAD - N_NODE), (0, 0)))
    zeros = jnp.zeros((RT, D_TAB), jnp.float32)

    edge_pass = _sc_edge_pass()

    table1 = _tc_project(x, W1_treats, b1_treats.reshape(1, D))
    acc1 = edge_pass(table1, src1, dst1, zeros)
    table2 = _tc_mean_project(acc1, W2_treated_by, b2_treated_by.reshape(1, D))
    acc2 = edge_pass(table2, src2, dst2, zeros)
    out = _tc_mean(acc2)
    return out[:N_NODE]

# --- scband reference (transcript-rebuilt; emitter-appended) ---
"""Pipeline reference for scband-node-classifier-66030827209234 (READ-ONLY COPY).

The authoritative reference and input builder live on the scoring server;
editing this copy changes nothing except your own understanding.
"""

import jax, jax.numpy as jnp
import numpy as np

N_CHEM = 10000
N_DIS = 10000
E = 320000
D_IN = 128
D_HID = 128
D_OUT = 128


def _xavier(key, shape):
    limit = np.sqrt(6.0 / (shape[0] + shape[1]))
    return jax.random.uniform(key, shape, minval=-limit, maxval=limit, dtype=jnp.float32)


def setup_inputs(seed: int = 0):
    key = jax.random.key(seed)
    ks = jax.random.split(key, 14)
    inp = {}
    inp["src_treats"] = jax.random.randint(ks[0], (E,), 0, N_CHEM, dtype=jnp.int32)
    inp["dst_treats"] = jax.random.randint(ks[1], (E,), 0, N_DIS, dtype=jnp.int32)
    inp["src_treated_by"] = jax.random.randint(ks[2], (E,), 0, N_DIS, dtype=jnp.int32)
    inp["dst_treated_by"] = jax.random.randint(ks[3], (E,), 0, N_CHEM, dtype=jnp.int32)
    inp["embed_chemical"] = _xavier(ks[4], (N_CHEM, D_IN))
    inp["embed_disease"] = _xavier(ks[5], (N_DIS, D_IN))
    inp["W1_treats"] = _xavier(ks[6], (D_IN, D_HID))
    inp["b1_treats"] = jnp.zeros((D_HID,), jnp.float32)
    inp["W1_treated_by"] = _xavier(ks[7], (D_IN, D_HID))
    inp["b1_treated_by"] = jnp.zeros((D_HID,), jnp.float32)
    inp["W2_treats"] = _xavier(ks[8], (D_HID, D_OUT))
    inp["b2_treats"] = jnp.zeros((D_OUT,), jnp.float32)
    inp["W2_treated_by"] = _xavier(ks[9], (D_HID, D_OUT))
    inp["b2_treated_by"] = jnp.zeros((D_OUT,), jnp.float32)
    return inp


def _segment_mean(vals, seg, num):
    s = jax.ops.segment_sum(vals, seg, num_segments=num)
    c = jax.ops.segment_sum(jnp.ones((vals.shape[0], 1), vals.dtype), seg, num_segments=num)
    return s / jnp.maximum(c, 1.0)


def _hetero_layer(h_chem, h_dis, Wt, bt, Wtb, btb, src_t, dst_t, src_tb, dst_tb):
    # per-etype linear on source node features (DGL HeteroRGCNLayer)
    Wh_t = h_chem @ Wt + bt      # chemical --treats--> disease
    Wh_tb = h_dis @ Wtb + btb    # disease --treated_by--> chemical
    # copy_u message + mean reduce, multi_update_all cross reducer = sum
    new_dis = _segment_mean(jnp.take(Wh_t, src_t, axis=0), dst_t, N_DIS)
    new_chem = _segment_mean(jnp.take(Wh_tb, src_tb, axis=0), dst_tb, N_CHEM)
    return new_chem, new_dis


def reference(src_treats, dst_treats, src_treated_by, dst_treated_by,
              embed_chemical, embed_disease,
              W1_treats, b1_treats, W1_treated_by, b1_treated_by,
              W2_treats, b2_treats, W2_treated_by, b2_treated_by):
    h_c, h_d = _hetero_layer(embed_chemical, embed_disease,
                             W1_treats, b1_treats, W1_treated_by, b1_treated_by,
                             src_treats, dst_treats, src_treated_by, dst_treated_by)
    h_c = jax.nn.leaky_relu(h_c, 0.01)
    h_d = jax.nn.leaky_relu(h_d, 0.01)
    h_c, h_d = _hetero_layer(h_c, h_d,
                             W2_treats, b2_treats, W2_treated_by, b2_treated_by,
                             src_treats, dst_treats, src_treated_by, dst_treated_by)
    return h_c

if __name__ == "__main__":
    import jax
    _d = setup_inputs()
    print(jax.jit(kernel)(*tuple(_d.values())))

</pallas_src>

<mosaic_0001>
#map = affine_map<(d0, d1) -> (0, 0)>
#map1 = affine_map<(d0, d1) -> (0)>
#map2 = affine_map<(d0, d1) -> (0, 0, 0)>
module attributes {stable_mosaic.version = 14 : i64} {
  func.func @k(%arg0: i32, %arg1: i32, %arg2: memref<10240x144xf32, #tpu.memory_space<hbm>>, %arg3: memref<323584xi32, #tpu.memory_space<hbm>>, %arg4: memref<323584xi32, #tpu.memory_space<hbm>>, %arg5: memref<640x144xf32, #tpu.memory_space<hbm>>, %arg6: memref<2x10240x144xf32, #tpu.memory_space<hbm>>, %arg7: memref<128xi32, #tpu.memory_space<vmem>>, %arg8: memref<128xi32, #tpu.memory_space<vmem>>, %arg9: memref<128x144xf32, #tpu.memory_space<vmem>>, %arg10: memref<10240x144xf32, #tpu.memory_space<vmem_shared>>, %arg11: memref<!tpu.dma_semaphore, #tpu.memory_space<semaphore_mem>>) attributes {dimension_semantics = [#tpu.dimension_semantics<core_parallel>, #tpu.dimension_semantics<subcore_parallel>], iteration_bounds = array<i64: 2, 16>, scalar_prefetch = 0 : i64, scratch_operands = 5 : i64, tpu.core_type = #tpu.core_type<sc_vector_subcore>, window_params = [{transform_indices = #map}, {transform_indices = #map1}, {transform_indices = #map1}, {transform_indices = #map}, {transform_indices = #map2}]} {
    %mul3A = arith.constant 16 : i32
    %mul3A_0 = arith.muli %arg0, %mul3A : i32
    %add3A = arith.addi %mul3A_0, %arg1 : i32
    %mul3A_1 = arith.constant 640 : i32
    %mul3A_2 = arith.muli %arg1, %mul3A_1 : i32
    "tpu.region"() ({
      %run_scoped3A = tpu.sem_alloc : memref<!tpu.dma_semaphore, #tpu.memory_space<semaphore_mem>>
      %dma_start3A = arith.constant 0 : i32
      %dma_start3A_14 = tpu.memref_slice %arg10[%mul3A_2, %dma_start3A] : memref<10240x144xf32, #tpu.memory_space<vmem_shared>> -> memref<640x144xf32, #tpu.memory_space<vmem_shared>>
      tpu.enqueue_dma source(%arg5 : memref<640x144xf32, #tpu.memory_space<hbm>>) target(%dma_start3A_14 : memref<640x144xf32, #tpu.memory_space<vmem_shared>>) target_semaphore(%run_scoped3A : memref<!tpu.dma_semaphore, #tpu.memory_space<semaphore_mem>>)
      %dma_wait3A = arith.constant 0 : i32
      %dma_wait3A_15 = tpu.memref_slice %arg10[%mul3A_2, %dma_wait3A] : memref<10240x144xf32, #tpu.memory_space<vmem_shared>> -> memref<640x144xf32, #tpu.memory_space<vmem_shared>>
      tpu.wait_dma2 semaphore(%run_scoped3A : memref<!tpu.dma_semaphore, #tpu.memory_space<semaphore_mem>>) src(%arg5 : memref<640x144xf32, #tpu.memory_space<hbm>>) dst(%dma_wait3A_15 : memref<640x144xf32, #tpu.memory_space<vmem_shared>>)
      tpu.yield
    }) : () -> ()
    %barrier3A = arith.constant 0 : index
    tpu.barrier barrier_id(%barrier3A)
    %scan3A = arith.constant 0 : i32
    %scan3A_3 = arith.constant 0 : i32
    %scan3A_4 = arith.constant 79 : i32
    %scan3A_5 = arith.addi %scan3A_3, %scan3A_4 : i32
    %scan3A_6 = arith.constant 1 : i32
    %scan3A_7 = scf.for %scan3A_14 = %scan3A_3 to %scan3A_5 step %scan3A_6 iter_args(%scan3A_15 = %scan3A) -> (i32)  : i32 {
      %mul3A_16 = arith.constant 10112 : i32
      %mul3A_17 = arith.muli %add3A, %mul3A_16 : i32
      %mul3A_18 = arith.constant 128 : i32
      %mul3A_19 = arith.muli %scan3A_14, %mul3A_18 : i32
      %add3A_20 = arith.addi %mul3A_17, %mul3A_19 : i32
      "tpu.region"() ({
        %run_scoped3A = tpu.sem_alloc : memref<!tpu.dma_semaphore, #tpu.memory_space<semaphore_mem>>
        %dma_start3A_26 = tpu.memref_slice %arg3[%add3A_20] : memref<323584xi32, #tpu.memory_space<hbm>> -> memref<128xi32, #tpu.memory_space<hbm>>
        %dma_start3A_27 = tpu.memref_slice %arg3[%add3A_20] : memref<323584xi32, #tpu.memory_space<hbm>> -> memref<128xi32, #tpu.memory_space<hbm>>
        tpu.enqueue_dma source(%dma_start3A_27 : memref<128xi32, #tpu.memory_space<hbm>>) target(%arg7 : memref<128xi32, #tpu.memory_space<vmem>>) target_semaphore(%run_scoped3A : memref<!tpu.dma_semaphore, #tpu.memory_space<semaphore_mem>>)
        %dma_wait3A_28 = tpu.memref_slice %arg3[%add3A_20] : memref<323584xi32, #tpu.memory_space<hbm>> -> memref<128xi32, #tpu.memory_space<hbm>>
        %dma_wait3A_29 = tpu.memref_slice %arg3[%add3A_20] : memref<323584xi32, #tpu.memory_space<hbm>> -> memref<128xi32, #tpu.memory_space<hbm>>
        tpu.wait_dma2 semaphore(%run_scoped3A : memref<!tpu.dma_semaphore, #tpu.memory_space<semaphore_mem>>) src(%dma_wait3A_29 : memref<128xi32, #tpu.memory_space<hbm>>) dst(%arg7 : memref<128xi32, #tpu.memory_space<vmem>>)
        tpu.yield
      }) : () -> ()
      "tpu.region"() ({
        %run_scoped3A = tpu.sem_alloc : memref<!tpu.dma_semaphore, #tpu.memory_space<semaphore_mem>>
        %dma_start3A_26 = tpu.memref_slice %arg4[%add3A_20] : memref<323584xi32, #tpu.memory_space<hbm>> -> memref<128xi32, #tpu.memory_space<hbm>>
        %dma_start3A_27 = tpu.memref_slice %arg4[%add3A_20] : memref<323584xi32, #tpu.memory_space<hbm>> -> memref<128xi32, #tpu.memory_space<hbm>>
        tpu.enqueue_dma source(%dma_start3A_27 : memref<128xi32, #tpu.memory_space<hbm>>) target(%arg8 : memref<128xi32, #tpu.memory_space<vmem>>) target_semaphore(%run_scoped3A : memref<!tpu.dma_semaphore, #tpu.memory_space<semaphore_mem>>)
        %dma_wait3A_28 = tpu.memref_slice %arg4[%add3A_20] : memref<323584xi32, #tpu.memory_space<hbm>> -> memref<128xi32, #tpu.memory_space<hbm>>
        %dma_wait3A_29 = tpu.memref_slice %arg4[%add3A_20] : memref<323584xi32, #tpu.memory_space<hbm>> -> memref<128xi32, #tpu.memory_space<hbm>>
        tpu.wait_dma2 semaphore(%run_scoped3A : memref<!tpu.dma_semaphore, #tpu.memory_space<semaphore_mem>>) src(%dma_wait3A_29 : memref<128xi32, #tpu.memory_space<hbm>>) dst(%arg8 : memref<128xi32, #tpu.memory_space<vmem>>)
        tpu.yield
      }) : () -> ()
      %dma_start3A = arith.constant 0 : i32
      %dma_start3A_21 = arith.constant 0 : i32
      %dma_start3A_22 = tpu.memref_slice %arg2[%dma_start3A, %dma_start3A_21] : memref<10240x144xf32, #tpu.memory_space<hbm>> -> memref<10240x144xf32, #tpu.memory_space<hbm>>
      tpu.enqueue_indirect_dma source(%dma_start3A_22 : memref<10240x144xf32, #tpu.memory_space<hbm>>) target(%arg9 : memref<128x144xf32, #tpu.memory_space<vmem>>) offsets(%arg7 : memref<128xi32, #tpu.memory_space<vmem>>) semaphore(%arg11 : memref<!tpu.dma_semaphore, #tpu.memory_space<semaphore_mem>>)
      %dma_wait3A = arith.constant 0 : i32
      %dma_wait3A_23 = arith.constant 0 : i32
      %dma_wait3A_24 = tpu.memref_slice %arg2[%dma_wait3A, %dma_wait3A_23] : memref<10240x144xf32, #tpu.memory_space<hbm>> -> memref<10240x144xf32, #tpu.memory_space<hbm>>
      tpu.wait_indirect_dma semaphore(%arg11 : memref<!tpu.dma_semaphore, #tpu.memory_space<semaphore_mem>>) src(%dma_wait3A_24 : memref<10240x144xf32, #tpu.memory_space<hbm>>) dst(%arg9 : memref<128x144xf32, #tpu.memory_space<vmem>>)
      "tpu.region"() ({
        %run_scoped3A = tpu.sem_alloc : memref<!tpu.dma_semaphore, #tpu.memory_space<semaphore_mem>>
        %dma_start3A_26 = arith.constant 0 : i32
        %dma_start3A_27 = arith.constant 0 : i32
        %dma_start3A_28 = tpu.memref_slice %arg10[%dma_start3A_26, %dma_start3A_27] : memref<10240x144xf32, #tpu.memory_space<vmem_shared>> -> memref<10240x144xf32, #tpu.memory_space<vmem_shared>>
        tpu.enqueue_indirect_dma source(%arg9 : memref<128x144xf32, #tpu.memory_space<vmem>>) target(%dma_start3A_28 : memref<10240x144xf32, #tpu.memory_space<vmem_shared>>) offsets(%arg8 : memref<128xi32, #tpu.memory_space<vmem>>) semaphore(%run_scoped3A : memref<!tpu.dma_semaphore, #tpu.memory_space<semaphore_mem>>) {add = true}
        %dma_wait3A_29 = arith.constant 0 : i32
        %dma_wait3A_30 = arith.constant 0 : i32
        %dma_wait3A_31 = tpu.memref_slice %arg10[%dma_wait3A_29, %dma_wait3A_30] : memref<10240x144xf32, #tpu.memory_space<vmem_shared>> -> memref<10240x144xf32, #tpu.memory_space<vmem_shared>>
        tpu.wait_indirect_dma semaphore(%run_scoped3A : memref<!tpu.dma_semaphore, #tpu.memory_space<semaphore_mem>>) src(%arg9 : memref<128x144xf32, #tpu.memory_space<vmem>>) dst(%dma_wait3A_31 : memref<10240x144xf32, #tpu.memory_space<vmem_shared>>)
        tpu.yield
      }) : () -> ()
      %scan3A_25 = arith.constant 0 : i32
      scf.yield %scan3A_25 : i32
    }
    %scan3A_8 = arith.constant 79 : i32
    %barrier3A_9 = arith.constant 0 : index
    tpu.barrier barrier_id(%barrier3A_9)
    %mul3A_10 = arith.constant 640 : i32
    %mul3A_11 = arith.muli %arg1, %mul3A_10 : i32
    %mul3A_12 = arith.constant 640 : i32
    %mul3A_13 = arith.muli %arg1, %mul3A_12 : i32
    "tpu.region"() ({
      %run_scoped3A = tpu.sem_alloc : memref<!tpu.dma_semaphore, #tpu.memory_space<semaphore_mem>>
      %dma_start3A = arith.constant 0 : i32
      %dma_start3A_14 = tpu.memref_slice %arg6[%arg0, %mul3A_13, %dma_start3A] : memref<2x10240x144xf32, #tpu.memory_space<hbm>> -> memref<1x640x144xf32, #tpu.memory_space<hbm>>
      %dma_start3A_15 = tpu.memref_squeeze %dma_start3A_14 : memref<1x640x144xf32, #tpu.memory_space<hbm>> -> memref<640x144xf32, #tpu.memory_space<hbm>>
      %dma_start3A_16 = arith.constant 0 : i32
      %dma_start3A_17 = tpu.memref_slice %arg10[%mul3A_11, %dma_start3A_16] : memref<10240x144xf32, #tpu.memory_space<vmem_shared>> -> memref<640x144xf32, #tpu.memory_space<vmem_shared>>
      tpu.enqueue_dma source(%dma_start3A_17 : memref<640x144xf32, #tpu.memory_space<vmem_shared>>) target(%dma_start3A_15 : memref<640x144xf32, #tpu.memory_space<hbm>>) target_semaphore(%run_scoped3A : memref<!tpu.dma_semaphore, #tpu.memory_space<semaphore_mem>>)
      %dma_wait3A = arith.constant 0 : i32
      %dma_wait3A_18 = tpu.memref_slice %arg6[%arg0, %mul3A_13, %dma_wait3A] : memref<2x10240x144xf32, #tpu.memory_space<hbm>> -> memref<1x640x144xf32, #tpu.memory_space<hbm>>
      %dma_wait3A_19 = tpu.memref_squeeze %dma_wait3A_18 : memref<1x640x144xf32, #tpu.memory_space<hbm>> -> memref<640x144xf32, #tpu.memory_space<hbm>>
      %dma_wait3A_20 = arith.constant 0 : i32
      %dma_wait3A_21 = tpu.memref_slice %arg10[%mul3A_11, %dma_wait3A_20] : memref<10240x144xf32, #tpu.memory_space<vmem_shared>> -> memref<640x144xf32, #tpu.memory_space<vmem_shared>>
      tpu.wait_dma2 semaphore(%run_scoped3A : memref<!tpu.dma_semaphore, #tpu.memory_space<semaphore_mem>>) src(%dma_wait3A_21 : memref<640x144xf32, #tpu.memory_space<vmem_shared>>) dst(%dma_wait3A_19 : memref<640x144xf32, #tpu.memory_space<hbm>>)
      tpu.yield
    }) : () -> ()
    return
  }
}

#map = affine_map<(d0, d1) -> (0, 0)>
#map1 = affine_map<(d0, d1) -> (0)>
#map2 = affine_map<(d0, d1) -> (0, 0, 0)>
module attributes {stable_mosaic.version = 14 : i64} {
  func.func @k(%arg0: i32, %arg1: i32, %arg2: memref<10240x144xf32, #tpu.memory_space<hbm>>, %arg3: memref<323584xi32, #tpu.memory_space<hbm>>, %arg4: memref<323584xi32, #tpu.memory_space<hbm>>, %arg5: memref<640x144xf32, #tpu.memory_space<hbm>>, %arg6: memref<2x10240x144xf32, #tpu.memory_space<hbm>>, %arg7: memref<128xi32, #tpu.memory_space<vmem>>, %arg8: memref<128xi32, #tpu.memory_space<vmem>>, %arg9: memref<128x144xf32, #tpu.memory_space<vmem>>, %arg10: memref<10240x144xf32, #tpu.memory_space<vmem_shared>>, %arg11: memref<!tpu.dma_semaphore, #tpu.memory_space<semaphore_mem>>) attributes {dimension_semantics = [#tpu.dimension_semantics<core_parallel>, #tpu.dimension_semantics<subcore_parallel>], iteration_bounds = array<i64: 2, 16>, scalar_prefetch = 0 : i64, scratch_operands = 5 : i64, tpu.core_type = #tpu.core_type<sc_vector_subcore>, window_params = [{transform_indices = #map}, {transform_indices = #map1}, {transform_indices = #map1}, {transform_indices = #map}, {transform_indices = #map2}]} {
    %mul3A = arith.constant 16 : i32
    %mul3A_0 = arith.muli %arg0, %mul3A : i32
    %add3A = arith.addi %mul3A_0, %arg1 : i32
    %mul3A_1 = arith.constant 640 : i32
    %mul3A_2 = arith.muli %arg1, %mul3A_1 : i32
    "tpu.region"() ({
      %run_scoped3A = tpu.sem_alloc : memref<!tpu.dma_semaphore, #tpu.memory_space<semaphore_mem>>
      %dma_start3A = arith.constant 0 : i32
      %dma_start3A_14 = tpu.memref_slice %arg10[%mul3A_2, %dma_start3A] : memref<10240x144xf32, #tpu.memory_space<vmem_shared>> -> memref<640x144xf32, #tpu.memory_space<vmem_shared>>
      tpu.enqueue_dma source(%arg5 : memref<640x144xf32, #tpu.memory_space<hbm>>) target(%dma_start3A_14 : memref<640x144xf32, #tpu.memory_space<vmem_shared>>) target_semaphore(%run_scoped3A : memref<!tpu.dma_semaphore, #tpu.memory_space<semaphore_mem>>)
      %dma_wait3A = arith.constant 0 : i32
      %dma_wait3A_15 = tpu.memref_slice %arg10[%mul3A_2, %dma_wait3A] : memref<10240x144xf32, #tpu.memory_space<vmem_shared>> -> memref<640x144xf32, #tpu.memory_space<vmem_shared>>
      tpu.wait_dma2 semaphore(%run_scoped3A : memref<!tpu.dma_semaphore, #tpu.memory_space<semaphore_mem>>) src(%arg5 : memref<640x144xf32, #tpu.memory_space<hbm>>) dst(%dma_wait3A_15 : memref<640x144xf32, #tpu.memory_space<vmem_shared>>)
      tpu.yield
    }) : () -> ()
    %barrier3A = arith.constant 0 : index
    tpu.barrier barrier_id(%barrier3A)
    %scan3A = arith.constant 0 : i32
    %scan3A_3 = arith.constant 0 : i32
    %scan3A_4 = arith.constant 79 : i32
    %scan3A_5 = arith.addi %scan3A_3, %scan3A_4 : i32
    %scan3A_6 = arith.constant 1 : i32
    %scan3A_7 = scf.for %scan3A_14 = %scan3A_3 to %scan3A_5 step %scan3A_6 iter_args(%scan3A_15 = %scan3A) -> (i32)  : i32 {
      %mul3A_16 = arith.constant 10112 : i32
      %mul3A_17 = arith.muli %add3A, %mul3A_16 : i32
      %mul3A_18 = arith.constant 128 : i32
      %mul3A_19 = arith.muli %scan3A_14, %mul3A_18 : i32
      %add3A_20 = arith.addi %mul3A_17, %mul3A_19 : i32
      "tpu.region"() ({
        %run_scoped3A = tpu.sem_alloc : memref<!tpu.dma_semaphore, #tpu.memory_space<semaphore_mem>>
        %dma_start3A_26 = tpu.memref_slice %arg3[%add3A_20] : memref<323584xi32, #tpu.memory_space<hbm>> -> memref<128xi32, #tpu.memory_space<hbm>>
        %dma_start3A_27 = tpu.memref_slice %arg3[%add3A_20] : memref<323584xi32, #tpu.memory_space<hbm>> -> memref<128xi32, #tpu.memory_space<hbm>>
        tpu.enqueue_dma source(%dma_start3A_27 : memref<128xi32, #tpu.memory_space<hbm>>) target(%arg7 : memref<128xi32, #tpu.memory_space<vmem>>) target_semaphore(%run_scoped3A : memref<!tpu.dma_semaphore, #tpu.memory_space<semaphore_mem>>)
        %dma_wait3A_28 = tpu.memref_slice %arg3[%add3A_20] : memref<323584xi32, #tpu.memory_space<hbm>> -> memref<128xi32, #tpu.memory_space<hbm>>
        %dma_wait3A_29 = tpu.memref_slice %arg3[%add3A_20] : memref<323584xi32, #tpu.memory_space<hbm>> -> memref<128xi32, #tpu.memory_space<hbm>>
        tpu.wait_dma2 semaphore(%run_scoped3A : memref<!tpu.dma_semaphore, #tpu.memory_space<semaphore_mem>>) src(%dma_wait3A_29 : memref<128xi32, #tpu.memory_space<hbm>>) dst(%arg7 : memref<128xi32, #tpu.memory_space<vmem>>)
        tpu.yield
      }) : () -> ()
      "tpu.region"() ({
        %run_scoped3A = tpu.sem_alloc : memref<!tpu.dma_semaphore, #tpu.memory_space<semaphore_mem>>
        %dma_start3A_26 = tpu.memref_slice %arg4[%add3A_20] : memref<323584xi32, #tpu.memory_space<hbm>> -> memref<128xi32, #tpu.memory_space<hbm>>
        %dma_start3A_27 = tpu.memref_slice %arg4[%add3A_20] : memref<323584xi32, #tpu.memory_space<hbm>> -> memref<128xi32, #tpu.memory_space<hbm>>
        tpu.enqueue_dma source(%dma_start3A_27 : memref<128xi32, #tpu.memory_space<hbm>>) target(%arg8 : memref<128xi32, #tpu.memory_space<vmem>>) target_semaphore(%run_scoped3A : memref<!tpu.dma_semaphore, #tpu.memory_space<semaphore_mem>>)
        %dma_wait3A_28 = tpu.memref_slice %arg4[%add3A_20] : memref<323584xi32, #tpu.memory_space<hbm>> -> memref<128xi32, #tpu.memory_space<hbm>>
        %dma_wait3A_29 = tpu.memref_slice %arg4[%add3A_20] : memref<323584xi32, #tpu.memory_space<hbm>> -> memref<128xi32, #tpu.memory_space<hbm>>
        tpu.wait_dma2 semaphore(%run_scoped3A : memref<!tpu.dma_semaphore, #tpu.memory_space<semaphore_mem>>) src(%dma_wait3A_29 : memref<128xi32, #tpu.memory_space<hbm>>) dst(%arg8 : memref<128xi32, #tpu.memory_space<vmem>>)
        tpu.yield
      }) : () -> ()
      %dma_start3A = arith.constant 0 : i32
      %dma_start3A_21 = arith.constant 0 : i32
      %dma_start3A_22 = tpu.memref_slice %arg2[%dma_start3A, %dma_start3A_21] : memref<10240x144xf32, #tpu.memory_space<hbm>> -> memref<10240x144xf32, #tpu.memory_space<hbm>>
      tpu.enqueue_indirect_dma source(%dma_start3A_22 : memref<10240x144xf32, #tpu.memory_space<hbm>>) target(%arg9 : memref<128x144xf32, #tpu.memory_space<vmem>>) offsets(%arg7 : memref<128xi32, #tpu.memory_space<vmem>>) semaphore(%arg11 : memref<!tpu.dma_semaphore, #tpu.memory_space<semaphore_mem>>)
      %dma_wait3A = arith.constant 0 : i32
      %dma_wait3A_23 = arith.constant 0 : i32
      %dma_wait3A_24 = tpu.memref_slice %arg2[%dma_wait3A, %dma_wait3A_23] : memref<10240x144xf32, #tpu.memory_space<hbm>> -> memref<10240x144xf32, #tpu.memory_space<hbm>>
      tpu.wait_indirect_dma semaphore(%arg11 : memref<!tpu.dma_semaphore, #tpu.memory_space<semaphore_mem>>) src(%dma_wait3A_24 : memref<10240x144xf32, #tpu.memory_space<hbm>>) dst(%arg9 : memref<128x144xf32, #tpu.memory_space<vmem>>)
      "tpu.region"() ({
        %run_scoped3A = tpu.sem_alloc : memref<!tpu.dma_semaphore, #tpu.memory_space<semaphore_mem>>
        %dma_start3A_26 = arith.constant 0 : i32
        %dma_start3A_27 = arith.constant 0 : i32
        %dma_start3A_28 = tpu.memref_slice %arg10[%dma_start3A_26, %dma_start3A_27] : memref<10240x144xf32, #tpu.memory_space<vmem_shared>> -> memref<10240x144xf32, #tpu.memory_space<vmem_shared>>
        tpu.enqueue_indirect_dma source(%arg9 : memref<128x144xf32, #tpu.memory_space<vmem>>) target(%dma_start3A_28 : memref<10240x144xf32, #tpu.memory_space<vmem_shared>>) offsets(%arg8 : memref<128xi32, #tpu.memory_space<vmem>>) semaphore(%run_scoped3A : memref<!tpu.dma_semaphore, #tpu.memory_space<semaphore_mem>>) {add = true}
        %dma_wait3A_29 = arith.constant 0 : i32
        %dma_wait3A_30 = arith.constant 0 : i32
        %dma_wait3A_31 = tpu.memref_slice %arg10[%dma_wait3A_29, %dma_wait3A_30] : memref<10240x144xf32, #tpu.memory_space<vmem_shared>> -> memref<10240x144xf32, #tpu.memory_space<vmem_shared>>
        tpu.wait_indirect_dma semaphore(%run_scoped3A : memref<!tpu.dma_semaphore, #tpu.memory_space<semaphore_mem>>) src(%arg9 : memref<128x144xf32, #tpu.memory_space<vmem>>) dst(%dma_wait3A_31 : memref<10240x144xf32, #tpu.memory_space<vmem_shared>>)
        tpu.yield
      }) : () -> ()
      %scan3A_25 = arith.constant 0 : i32
      scf.yield %scan3A_25 : i32
    }
    %scan3A_8 = arith.constant 79 : i32
    %barrier3A_9 = arith.constant 0 : index
    tpu.barrier barrier_id(%barrier3A_9)
    %mul3A_10 = arith.constant 640 : i32
    %mul3A_11 = arith.muli %arg1, %mul3A_10 : i32
    %mul3A_12 = arith.constant 640 : i32
    %mul3A_13 = arith.muli %arg1, %mul3A_12 : i32
    "tpu.region"() ({
      %run_scoped3A = tpu.sem_alloc : memref<!tpu.dma_semaphore, #tpu.memory_space<semaphore_mem>>
      %dma_start3A = arith.constant 0 : i32
      %dma_start3A_14 = tpu.memref_slice %arg6[%arg0, %mul3A_13, %dma_start3A] : memref<2x10240x144xf32, #tpu.memory_space<hbm>> -> memref<1x640x144xf32, #tpu.memory_space<hbm>>
      %dma_start3A_15 = tpu.memref_squeeze %dma_start3A_14 : memref<1x640x144xf32, #tpu.memory_space<hbm>> -> memref<640x144xf32, #tpu.memory_space<hbm>>
      %dma_start3A_16 = arith.constant 0 : i32
      %dma_start3A_17 = tpu.memref_slice %arg10[%mul3A_11, %dma_start3A_16] : memref<10240x144xf32, #tpu.memory_space<vmem_shared>> -> memref<640x144xf32, #tpu.memory_space<vmem_shared>>
      tpu.enqueue_dma source(%dma_start3A_17 : memref<640x144xf32, #tpu.memory_space<vmem_shared>>) target(%dma_start3A_15 : memref<640x144xf32, #tpu.memory_space<hbm>>) target_semaphore(%run_scoped3A : memref<!tpu.dma_semaphore, #tpu.memory_space<semaphore_mem>>)
      %dma_wait3A = arith.constant 0 : i32
      %dma_wait3A_18 = tpu.memref_slice %arg6[%arg0, %mul3A_13, %dma_wait3A] : memref<2x10240x144xf32, #tpu.memory_space<hbm>> -> memref<1x640x144xf32, #tpu.memory_space<hbm>>
      %dma_wait3A_19 = tpu.memref_squeeze %dma_wait3A_18 : memref<1x640x144xf32, #tpu.memory_space<hbm>> -> memref<640x144xf32, #tpu.memory_space<hbm>>
      %dma_wait3A_20 = arith.constant 0 : i32
      %dma_wait3A_21 = tpu.memref_slice %arg10[%mul3A_11, %dma_wait3A_20] : memref<10240x144xf32, #tpu.memory_space<vmem_shared>> -> memref<640x144xf32, #tpu.memory_space<vmem_shared>>
      tpu.wait_dma2 semaphore(%run_scoped3A : memref<!tpu.dma_semaphore, #tpu.memory_space<semaphore_mem>>) src(%dma_wait3A_21 : memref<640x144xf32, #tpu.memory_space<vmem_shared>>) dst(%dma_wait3A_19 : memref<640x144xf32, #tpu.memory_space<hbm>>)
      tpu.yield
    }) : () -> ()
    return
  }
}

module attributes {stable_mosaic.version = 14 : i64} {
  func.func @_tc_project_kernel(%arg0: i32, %arg1: memref<1280x128xf32, #tpu.memory_space<vmem>>, %arg2: memref<128x128xf32, #tpu.memory_space<vmem>>, %arg3: memref<1x128xf32, #tpu.memory_space<vmem>>, %arg4: memref<1280x144xf32, #tpu.memory_space<vmem>>) attributes {dimension_semantics = [#tpu.dimension_semantics<arbitrary>], iteration_bounds = array<i64: 8>, scalar_prefetch = 0 : i64, scratch_operands = 0 : i64, tpu.core_type = #tpu.core_type<tc>, window_params = [{transform_indices = @transform_0, window_bounds = array<i64: 1280, 128>}, {pipeline_mode = #tpu.pipeline_mode<synchronous>, transform_indices = @transform_1, window_bounds = array<i64: 128, 128>}, {pipeline_mode = #tpu.pipeline_mode<synchronous>, transform_indices = @transform_2, window_bounds = array<i64: 1, 128>}, {transform_indices = @transform_3, window_bounds = array<i64: 1280, 144>}]} {
    %get3A = arith.constant 0 : index
    %get3A_0 = arith.constant 0 : index
    %get3A_1 = vector.load %arg1[%get3A, %get3A_0] : memref<1280x128xf32, #tpu.memory_space<vmem>>, vector<1280x128xf32>
    %get3A_2 = arith.constant 0 : index
    %get3A_3 = arith.constant 0 : index
    %get3A_4 = vector.load %arg2[%get3A_2, %get3A_3] : memref<128x128xf32, #tpu.memory_space<vmem>>, vector<128x128xf32>
    %dot_general3A = arith.constant dense<0.000000e+00> : vector<1280x128xf32>
    %dot_general3A_5 = tpu.matmul %get3A_1, %get3A_4, %dot_general3A {dimension_numbers = #tpu.dot_dimension_numbers<[1], [0], [0], [1], [0, 0, 1, 1], [], []>, transpose_lhs_hint = false} : vector<1280x128xf32>, vector<128x128xf32>, vector<1280x128xf32> -> vector<1280x128xf32>
    %get3A_6 = arith.constant 0 : index
    %get3A_7 = arith.constant 0 : index
    %get3A_8 = vector.load %arg3[%get3A_6, %get3A_7] : memref<1x128xf32, #tpu.memory_space<vmem>>, vector<1x128xf32>
    %add3A = vector.broadcast %get3A_8 : vector<1x128xf32> to vector<1280x128xf32>
    %add3A_9 = arith.addf %dot_general3A_5, %add3A : vector<1280x128xf32>
    %swap3A = arith.constant 0 : index
    %swap3A_10 = arith.constant 0 : index
    %swap3A_11 = vector.load %arg4[%swap3A, %swap3A_10] : memref<1280x144xf32, #tpu.memory_space<vmem>>, vector<1280x128xf32>
    tpu.vector_store %arg4[%swap3A, %swap3A_10], %add3A_9 {strides = array<i32>} : memref<1280x144xf32, #tpu.memory_space<vmem>>, vector<1280x128xf32>,
    %broadcast_in_dim3A = arith.constant 1.000000e+00 : f32
    %broadcast_in_dim3A_12 = vector.broadcast %broadcast_in_dim3A : f32 to vector<1280x16xf32>
    %swap3A_13 = arith.constant 0 : index
    %swap3A_14 = arith.constant 128 : index
    %swap3A_15 = vector.load %arg4[%swap3A_13, %swap3A_14] : memref<1280x144xf32, #tpu.memory_space<vmem>>, vector<1280x16xf32>
    tpu.vector_store %arg4[%swap3A_13, %swap3A_14], %broadcast_in_dim3A_12 {strides = array<i32>} : memref<1280x144xf32, #tpu.memory_space<vmem>>, vector<1280x16xf32>,
    return
  }
  func.func @transform_0(%arg0: i32) -> (i32, i32) {
    %c0_i32 = arith.constant 0 : i32
    %c0_i32_0 = arith.constant 0 : i32
    return %arg0, %c0_i32 : i32, i32
  }
  func.func @transform_1(%arg0: i32) -> (i32, i32) {
    %c0_i32 = arith.constant 0 : i32
    %c0_i32_0 = arith.constant 0 : i32
    %c0_i32_1 = arith.constant 0 : i32
    return %c0_i32, %c0_i32_0 : i32, i32
  }
  func.func @transform_2(%arg0: i32) -> (i32, i32) {
    %c0_i32 = arith.constant 0 : i32
    %c0_i32_0 = arith.constant 0 : i32
    %c0_i32_1 = arith.constant 0 : i32
    return %c0_i32, %c0_i32_0 : i32, i32
  }
  func.func @transform_3(%arg0: i32) -> (i32, i32) {
    %c0_i32 = arith.constant 0 : i32
    %c0_i32_0 = arith.constant 0 : i32
    return %arg0, %c0_i32 : i32, i32
  }
}

module attributes {stable_mosaic.version = 14 : i64} {
  func.func @_tc_mean_project_kernel(%arg0: i32, %arg1: memref<2x1280x144xf32, #tpu.memory_space<vmem>>, %arg2: memref<128x128xf32, #tpu.memory_space<vmem>>, %arg3: memref<1x128xf32, #tpu.memory_space<vmem>>, %arg4: memref<1280x144xf32, #tpu.memory_space<vmem>>) attributes {dimension_semantics = [#tpu.dimension_semantics<arbitrary>], iteration_bounds = array<i64: 8>, scalar_prefetch = 0 : i64, scratch_operands = 0 : i64, tpu.core_type = #tpu.core_type<tc>, window_params = [{transform_indices = @transform_0, window_bounds = array<i64: 2, 1280, 144>}, {pipeline_mode = #tpu.pipeline_mode<synchronous>, transform_indices = @transform_1, window_bounds = array<i64: 128, 128>}, {pipeline_mode = #tpu.pipeline_mode<synchronous>, transform_indices = @transform_2, window_bounds = array<i64: 1, 128>}, {transform_indices = @transform_3, window_bounds = array<i64: 1280, 144>}]} {
    %get3A = arith.constant 0 : index
    %get3A_0 = arith.constant 0 : index
    %get3A_1 = arith.constant 0 : index
    %get3A_2 = vector.load %arg1[%get3A, %get3A_0, %get3A_1] : memref<2x1280x144xf32, #tpu.memory_space<vmem>>, vector<1x1280x144xf32>
    %get3A_3 = vector.shape_cast %get3A_2 : vector<1x1280x144xf32> to vector<1280x144xf32>
    %get3A_4 = arith.constant 1 : index
    %get3A_5 = arith.constant 0 : index
    %get3A_6 = arith.constant 0 : index
    %get3A_7 = vector.load %arg1[%get3A_4, %get3A_5, %get3A_6] : memref<2x1280x144xf32, #tpu.memory_space<vmem>>, vector<1x1280x144xf32>
    %get3A_8 = vector.shape_cast %get3A_7 : vector<1x1280x144xf32> to vector<1280x144xf32>
    %add3A = arith.addf %get3A_3, %get3A_8 : vector<1280x144xf32>
    %slice3A = vector.extract_strided_slice %add3A {offsets = [0, 128], sizes = [1280, 1], strides = [1, 1]} : vector<1280x144xf32> to vector<1280x1xf32>
    %max3A = arith.constant 1.000000e+00 : f32
    %max3A_9 = vector.broadcast %max3A : f32 to vector<1280x1xf32>
    %max3A_10 = arith.maximumf %slice3A, %max3A_9 : vector<1280x1xf32>
    %slice3A_11 = vector.extract_strided_slice %add3A {offsets = [0, 0], sizes = [1280, 128], strides = [1, 1]} : vector<1280x144xf32> to vector<1280x128xf32>
    %div3A = vector.broadcast %max3A_10 : vector<1280x1xf32> to vector<1280x128xf32>
    %div3A_12 = arith.divf %slice3A_11, %div3A : vector<1280x128xf32>
    %ge3A = arith.constant 0.000000e+00 : f32
    %ge3A_13 = vector.broadcast %ge3A : f32 to vector<1280x128xf32>
    %ge3A_14 = arith.cmpf oge, %div3A_12, %ge3A_13 : vector<1280x128xf32>
    %mul3A = arith.constant 0.00999999977 : f32
    %mul3A_15 = vector.broadcast %mul3A : f32 to vector<1280x128xf32>
    %mul3A_16 = arith.mulf %mul3A_15, %div3A_12 : vector<1280x128xf32>
    %select_n3A = arith.select %ge3A_14, %div3A_12, %mul3A_16 : vector<1280x128xi1>, vector<1280x128xf32>
    %get3A_17 = arith.constant 0 : index
    %get3A_18 = arith.constant 0 : index
    %get3A_19 = vector.load %arg2[%get3A_17, %get3A_18] : memref<128x128xf32, #tpu.memory_space<vmem>>, vector<128x128xf32>
    %dot_general3A = arith.constant dense<0.000000e+00> : vector<1280x128xf32>
    %dot_general3A_20 = tpu.matmul %select_n3A, %get3A_19, %dot_general3A {dimension_numbers = #tpu.dot_dimension_numbers<[1], [0], [0], [1], [0, 0, 1, 1], [], []>, transpose_lhs_hint = false} : vector<1280x128xf32>, vector<128x128xf32>, vector<1280x128xf32> -> vector<1280x128xf32>
    %get3A_21 = arith.constant 0 : index
    %get3A_22 = arith.constant 0 : index
    %get3A_23 = vector.load %arg3[%get3A_21, %get3A_22] : memref<1x128xf32, #tpu.memory_space<vmem>>, vector<1x128xf32>
    %add3A_24 = vector.broadcast %get3A_23 : vector<1x128xf32> to vector<1280x128xf32>
    %add3A_25 = arith.addf %dot_general3A_20, %add3A_24 : vector<1280x128xf32>
    %swap3A = arith.constant 0 : index
    %swap3A_26 = arith.constant 0 : index
    %swap3A_27 = vector.load %arg4[%swap3A, %swap3A_26] : memref<1280x144xf32, #tpu.memory_space<vmem>>, vector<1280x128xf32>
    tpu.vector_store %arg4[%swap3A, %swap3A_26], %add3A_25 {strides = array<i32>} : memref<1280x144xf32, #tpu.memory_space<vmem>>, vector<1280x128xf32>,
    %broadcast_in_dim3A = arith.constant 1.000000e+00 : f32
    %broadcast_in_dim3A_28 = vector.broadcast %broadcast_in_dim3A : f32 to vector<1280x16xf32>
    %swap3A_29 = arith.constant 0 : index
    %swap3A_30 = arith.constant 128 : index
    %swap3A_31 = vector.load %arg4[%swap3A_29, %swap3A_30] : memref<1280x144xf32, #tpu.memory_space<vmem>>, vector<1280x16xf32>
    tpu.vector_store %arg4[%swap3A_29, %swap3A_30], %broadcast_in_dim3A_28 {strides = array<i32>} : memref<1280x144xf32, #tpu.memory_space<vmem>>, vector<1280x16xf32>,
    return
  }
  func.func @transform_0(%arg0: i32) -> (i32, i32, i32) {
    %c0_i32 = arith.constant 0 : i32
    %c0_i32_0 = arith.constant 0 : i32
    %c0_i32_1 = arith.constant 0 : i32
    return %c0_i32, %arg0, %c0_i32_0 : i32, i32, i32
  }
  func.func @transform_1(%arg0: i32) -> (i32, i32) {
    %c0_i32 = arith.constant 0 : i32
    %c0_i32_0 = arith.constant 0 : i32
    %c0_i32_1 = arith.constant 0 : i32
    return %c0_i32, %c0_i32_0 : i32, i32
  }
  func.func @transform_2(%arg0: i32) -> (i32, i32) {
    %c0_i32 = arith.constant 0 : i32
    %c0_i32_0 = arith.constant 0 : i32
    %c0_i32_1 = arith.constant 0 : i32
    return %c0_i32, %c0_i32_0 : i32, i32
  }
  func.func @transform_3(%arg0: i32) -> (i32, i32) {
    %c0_i32 = arith.constant 0 : i32
    %c0_i32_0 = arith.constant 0 : i32
    return %arg0, %c0_i32 : i32, i32
  }
}

module attributes {stable_mosaic.version = 14 : i64} {
  func.func @_tc_mean_kernel(%arg0: i32, %arg1: memref<2x1280x144xf32, #tpu.memory_space<vmem>>, %arg2: memref<1280x128xf32, #tpu.memory_space<vmem>>) attributes {dimension_semantics = [#tpu.dimension_semantics<arbitrary>], iteration_bounds = array<i64: 8>, scalar_prefetch = 0 : i64, scratch_operands = 0 : i64, tpu.core_type = #tpu.core_type<tc>, window_params = [{transform_indices = @transform_0, window_bounds = array<i64: 2, 1280, 144>}, {transform_indices = @transform_1, window_bounds = array<i64: 1280, 128>}]} {
    %get3A = arith.constant 0 : index
    %get3A_0 = arith.constant 0 : index
    %get3A_1 = arith.constant 0 : index
    %get3A_2 = vector.load %arg1[%get3A, %get3A_0, %get3A_1] : memref<2x1280x144xf32, #tpu.memory_space<vmem>>, vector<1x1280x144xf32>
    %get3A_3 = vector.shape_cast %get3A_2 : vector<1x1280x144xf32> to vector<1280x144xf32>
    %get3A_4 = arith.constant 1 : index
    %get3A_5 = arith.constant 0 : index
    %get3A_6 = arith.constant 0 : index
    %get3A_7 = vector.load %arg1[%get3A_4, %get3A_5, %get3A_6] : memref<2x1280x144xf32, #tpu.memory_space<vmem>>, vector<1x1280x144xf32>
    %get3A_8 = vector.shape_cast %get3A_7 : vector<1x1280x144xf32> to vector<1280x144xf32>
    %add3A = arith.addf %get3A_3, %get3A_8 : vector<1280x144xf32>
    %slice3A = vector.extract_strided_slice %add3A {offsets = [0, 128], sizes = [1280, 1], strides = [1, 1]} : vector<1280x144xf32> to vector<1280x1xf32>
    %max3A = arith.constant 1.000000e+00 : f32
    %max3A_9 = vector.broadcast %max3A : f32 to vector<1280x1xf32>
    %max3A_10 = arith.maximumf %slice3A, %max3A_9 : vector<1280x1xf32>
    %slice3A_11 = vector.extract_strided_slice %add3A {offsets = [0, 0], sizes = [1280, 128], strides = [1, 1]} : vector<1280x144xf32> to vector<1280x128xf32>
    %div3A = vector.broadcast %max3A_10 : vector<1280x1xf32> to vector<1280x128xf32>
    %div3A_12 = arith.divf %slice3A_11, %div3A : vector<1280x128xf32>
    %swap3A = arith.constant 0 : index
    %swap3A_13 = arith.constant 0 : index
    %swap3A_14 = vector.load %arg2[%swap3A, %swap3A_13] : memref<1280x128xf32, #tpu.memory_space<vmem>>, vector<1280x128xf32>
    tpu.vector_store %arg2[%swap3A, %swap3A_13], %div3A_12 {strides = array<i32>} : memref<1280x128xf32, #tpu.memory_space<vmem>>, vector<1280x128xf32>,
    return
  }
  func.func @transform_0(%arg0: i32) -> (i32, i32, i32) {
    %c0_i32 = arith.constant 0 : i32
    %c0_i32_0 = arith.constant 0 : i32
    %c0_i32_1 = arith.constant 0 : i32
    return %c0_i32, %arg0, %c0_i32_0 : i32, i32, i32
  }
  func.func @transform_1(%arg0: i32) -> (i32, i32) {
    %c0_i32 = arith.constant 0 : i32
    %c0_i32_0 = arith.constant 0 : i32
    return %arg0, %c0_i32 : i32, i32
  }
}

</mosaic_0001>

<sc_bundles>
// kernel: kernel.10.cloned.1.call-start
scs
__scs_entry_jumppad:
0x0: {  	(pc) =	sbr.rel $0x88, $3  }
0x1: {  	(tag) =	ssettag $0x0;
	lr =	simm.s32 $0x1  }
0x2: {  	[smem:$0x3F98] =	sst lr;
	_ =	strace $0xD0000000  }
0x3: {  	_ = 	snop  }
0x4: {  	_ = 	snop  }
0x5: {  	_ = 	snop  }
0x6: {  	_ = 	snop  }
0x7: {  	_ = 	snop  }
__scs_overlays_trampoline_lowered:
0x8: {  	[smem:$0x3FA7] =	sst s0  }
0x9: {  	[smem:$0x3FA8] =	sst s1  }
0xa: {  	[smem:$0x3FA9] =	sst s2  }
0xb: {  	[smem:$0x3FAA] =	sst s3  }
0xc: {  	[smem:$0x3FAB] =	sst s4  }
0xd: {  	[smem:$0x3FAC] =	sst s5  }
0xe: {  	[smem:$0x3FAD] =	sst s6  }
0xf: {  	[smem:$0x3FAE] =	sst s7  }
0x10: {  	[smem:$0x3FAF] =	sst s8  }
0x11: {  	[smem:$0x3FB0] =	sst s9;
	s0 =	simm.s32 @!p0 $0x0  }
0x12: {  	s1 =	sld [smem:$0x3F96];
	s0 =	simm.s32 @p0 $0x1  }
0x13: {  	[smem:$0x3FB1] =	sst s0;
	s0 =	simm.s32 @!p1 $0x0  }
0x14: {  	s2 =	sld [smem:$0x3F95];
	s0 =	simm.s32 @p1 $0x1  }
0x15: {  	[smem:$0x3FB2] =	sst s0;
	s0 =	simm.s32 @!p2 $0x0  }
0x16: {  	s3 =	sld [smem:$0x3FDB];
	s0 =	simm.s32 @p2 $0x1  }
0x17: {  	s4 =	simm.s32 $0x1BF5;
	[smem:$0x3FB4] =	sst s0  }
0x18: {  	s0 =	sld [smem:$0x3F97];
	_ =	swait.ge [sflag:s4], $0x0  }
0x19: {  	s7 =	sld [smem:$0x3F98]  }
0x1a: {  	s8 =	sadd.s32 $0xFFFFE003, lr  }
0x1b: {  	s9 =	sadd.s32 $0xFFFFFEF7, lr;
	s5 =	simm.s32 $0xFFFFFFFF;
	p2 =	slt.u32 s8, $0xFFFFF086  }
0x1c: {  	p1 =	slt.u32 s9, $0xF7A;
	s5 =	simm.s32 @!p2 $0x0  }
0x1d: {  	s5 =	simm.s32 @p1 $0x1;
	p0 =	seq.s32 s7, s2  }
0x1e: {  	s7 =	smul.u32 @!p0 $0xF7A, s2;
	p2 =	seq.s32 @!p0 s5, $0x0  }
0x1f: {  	s9 =	smul.u32 $0xF7A, s1;
	s8 =	simm.s32 @!p0 $0x1BF5;
	p2 =	por !p2, p0  }
0x20: {  	[sflag:s8] =	ssyncset.s32 @!p0 $0xFFFFF086;
	s6 =	sadd.s32 @!p0 s3, s7;
	s7 =	simm.s32 @!p0 $0x108  }
0x21: {  	s3 =	sadd.s32 s3, s9;
	s6 =	sadd.s32 @!p0 $0x88, s6;
	s7 =	simm.s32 @p2 $0x1082  }
0x22: {  	[simem:s7], [sflag:s8] =	dma.local @!p0 [hbm:s6], $0xF7A  }
0x23: {  	s9 =	sor.u32 $0xD0000000, s2;
	s6 =	simm.s32 $0x108;
	_ =	swait.ge @!p0 [sflag:s8], $0x0  }
0x24: {  	s3 =	sadd.s32 $0x88, s3;
	s6 =	simm.s32 @!p1 $0x1082;
	[sflag:s4] =	ssyncset.s32 $0xFFFFF086  }
0x25: {  	[simem:s6], [sflag:s4] =	dma.local [hbm:s3], $0xF7A  }
0x26: {  	[smem:$0x3F98] =	sst s1;
	(tag) =	ssettag s2;
	_ =	strace s9  }
0x27: {  	s1 =	sld [smem:$0x3FA8]  }
0x28: {  	s2 =	sld [smem:$0x3FA9]  }
0x29: {  	s4 =	sld [smem:$0x3FAB]  }
0x2a: {  	p0 =	seq.s32 s5, $0x0;
	s5 =	sld [smem:$0x3FAC]  }
0x2b: {  	s6 =	sld [smem:$0x3FAD]  }
0x2c: {  	s7 =	sld [smem:$0x3FAE]  }
0x2d: {  	s3 =	simm.s32 $0x108;
	s8 =	sld [smem:$0x3FAF]  }
0x2e: {  	s3 =	simm.s32 @!p0 $0x1082;
	s9 =	sld [smem:$0x3FB0]  }
0x2f: {  	lr =	sadd.s32 s0, s3;
	s0 =	sld [smem:$0x3FA7]  }
0x30: {  	s3 =	sld [smem:$0x3FAA]  }
0x31: {  	[smem:$0x3FB3] =	sst s10  }
0x32: {  	s10 =	sld [smem:$0x3FB1];
	_ =	sdelay $0x3  }
0x33: {  	p0 =	seq.s32 s10, $0x1;
	s10 =	sld [smem:$0x3FB3];
	_ =	sdelay $0x3  }
0x34: {  	[smem:$0x3FB3] =	sst s10  }
0x35: {  	s10 =	sld [smem:$0x3FB2];
	_ =	sdelay $0x3  }
0x36: {  	p1 =	seq.s32 s10, $0x1;
	s10 =	sld [smem:$0x3FB3];
	_ =	sdelay $0x3  }
0x37: {  	[smem:$0x3FB3] =	sst s10  }
0x38: {  	s10 =	sld [smem:$0x3FB4]  }
0x39: {  	_ = 	snop;
	(pc) =	sbr.ind lr, $3  }
0x3a: {  	_ = 	snop  }
0x3b: {  	_ = 	snop  }
0x3c: {  	p2 =	seq.s32 s10, $0x1;
	s10 =	sld [smem:$0x3FB3]  }
0x3d: {  	_ =	shalt  }
0x3e: {  	_ =	shalt  }
0x3f: {  	_ =	shalt  }
0x40: {  	_ =	shalt  }
0x41: {  	_ =	shalt  }
0x42: {  	_ =	shalt  }
0x43: {  	_ =	shalt  }
0x44: {  	_ =	shalt  }
0x45: {  	_ =	shalt  }
0x46: {  	_ =	shalt  }
0x47: {  	_ =	shalt  }
0x48: {  	_ =	shalt  }
0x49: {  	_ =	shalt  }
0x4a: {  	_ =	shalt  }
0x4b: {  	_ =	shalt  }
0x4c: {  	_ =	shalt  }
0x4d: {  	_ =	shalt  }
0x4e: {  	_ =	shalt  }
0x4f: {  	_ =	shalt  }
0x50: {  	_ =	shalt  }
0x51: {  	_ =	shalt  }
0x52: {  	_ =	shalt  }
0x53: {  	_ =	shalt  }
0x54: {  	_ =	shalt  }
0x55: {  	_ =	shalt  }
0x56: {  	_ =	shalt  }
0x57: {  	_ =	shalt  }
0x58: {  	_ =	shalt  }
0x59: {  	_ =	shalt  }
0x5a: {  	_ =	shalt  }
0x5b: {  	_ =	shalt  }
0x5c: {  	_ =	shalt  }
0x5d: {  	_ =	shalt  }
0x5e: {  	_ =	shalt  }
0x5f: {  	_ =	shalt  }
0x60: {  	_ =	shalt  }
0x61: {  	_ =	shalt  }
0x62: {  	_ =	shalt  }
0x63: {  	_ =	shalt  }
0x64: {  	_ =	shalt  }
0x65: {  	_ =	shalt  }
0x66: {  	_ =	shalt  }
0x67: {  	_ =	shalt  }
0x68: {  	_ =	shalt  }
0x69: {  	_ =	shalt  }
0x6a: {  	_ =	shalt  }
0x6b: {  	_ =	shalt  }
0x6c: {  	_ =	shalt  }
0x6d: {  	_ =	shalt  }
0x6e: {  	_ =	shalt  }
0x6f: {  	_ =	shalt  }
0x70: {  	_ =	shalt  }
0x71: {  	_ =	shalt  }
0x72: {  	_ =	shalt  }
0x73: {  	_ =	shalt  }
0x74: {  	_ =	shalt  }
0x75: {  	_ =	shalt  }
0x76: {  	_ =	shalt  }
0x77: {  	_ =	shalt  }
0x78: {  	_ =	shalt  }
0x79: {  	_ =	shalt  }
0x7a: {  	_ =	shalt  }
0x7b: {  	_ =	shalt  }
0x7c: {  	_ =	shalt  }
0x7d: {  	_ =	shalt  }
0x7e: {  	_ =	shalt  }
0x7f: {  	_ =	shalt  }
0x80: {  	_ =	shalt  }
0x81: {  	_ =	shalt  }
0x82: {  	_ =	shalt  }
0x83: {  	_ =	shalt  }
0x84: {  	_ =	shalt  }
0x85: {  	_ =	shalt  }
0x86: {  	_ =	shalt  }
0x87: {  	_ =	shalt  }
.Lfunc_end0:
.L_simem_size_0:
called_computation.1_lowered:
.L_overlay_start_0:
0x88: {  	s2 =	sld [smem:$0x3FD9]  }
0x89: {  	s3 =	sld [smem:$0x3FFE];
	_ =	sdelay $0x1  }
0x8a: {  	s1 =	srdreg.scid  }
0x8b: {  	s0 =	sand.u32 $0x1, s1  }
0x8c: {  	s16 =	sshll.u32 s0, $0xA;
	s2 =	sadd.s32 s3, s2  }
0x8d: {  	s2 =	sadd.s32 s2, s16  }
0x8e: {  	[smem:$0x3FBF] =	sst s2  }
0x8f: {  	_ = 	snop  }
0x90: {  	(tm) =	ssettm $0x1  }
0x91: {  	s17 =	sld [smem:$0x3FFB];
	_ =	sdelay $0x3  }
0x92: {  	_ =	strace s17  }
0x93: {  	s2 =	sld [smem:$0x3FFC];
	_ =	sdelay $0x3  }
0x94: {  	_ =	strace s2  }
0x95: {  	s2 =	sld [smem:$0x3FFD];
	_ =	sdelay $0x3  }
0x96: {  	_ =	strace s2  }
0x97: {  	_ =	strace $0x8FFFFFFF  }
0x98: {  	s18 =	sld [smem:$0x3FDB];
	_ =	sdelay $0x1  }
0x99: {  	s19 =	simm.s32 $_scs_section_size  }
0x9a: {  	s4 =	simm.s32 $_size__tile_overlayer_lowered;
	s5 =	simm.s32 $_tile_overlayer_lowered  }
0x9b: {  	s22 =	simm.s32 $0x1BFF;
	s21 =	sshll.u32 s5, $0x1;
	s2 =	sadd.s32 s19, s18  }
0x9c: {  	s6 =	simm.s32 $0x0;
	s20 =	sshll.u32 s4, $0x1;
	s4 =	sadd.s32 s21, s2  }
0x9d: {  	[timem:s6], [sflag:s22] =	dma.local [hbm:s4], s20  }
0x9e: {  	_ =	swait.ge [sflag:s22], s20  }
0x9f: {  	s3 =	ssub.s32 $0x0, s20;
	[sflag:s22] =	ssyncset.done $0x0  }
0xa0: {  	[sflag:s22] =	ssyncadd.s32 s3;
	_ =	sdelay $0x1  }
0xa1: {  	s23 =	simm.s32 $0x1B8B  }
0xa2: {  	_ =	swait.ge [sflag:s23], $0x1  }
0xa3: {  	[sflag:s23] =	ssyncset.done $0x0  }
0xa4: {  	s25 =	simm.s32 $0x1B8E;
	s24 =	sld [smem:$0x3FFE];
	[sflag:s23] =	ssyncadd.s32 $0xFFFFFFFF  }
0xa5: {  	s26 =	simm.s32 $execute0_lowered;
	[smem:$0x3FD2] =	sst s25  }
0xa6: {  	s4 =	sshll.u32 s26, $0x1;
	_ =	strace $0x80000049;
	[dreg:$0x1] =	wrdreg $0xFFFFFFFF  }
0xa7: {  	s28 =	simm.s32 $_size_execute0_lowered;
	s2 =	sadd.s32 s2, s4;
	[dreg:$0x0] =	wrdreg $0x0  }
0xa8: {  	s4 =	sshll.u32 s28, $0x1;
	[dreg:$0x2] =	wrdreg s2  }
0xa9: {  	[dreg:$0x3] =	wrdreg s4  }
0xaa: {  	[dreg:$0x4] =	wrdreg $0xC0  }
0xab: {  	_ =	task [dreg:s6], $0x5FFFF  }
0xac: {  	[dreg:$0x1] =	wrdreg $0xFFFFFFFF  }
0xad: {  	[dreg:$0x0] =	wrdreg $0x60  }
0xae: {  	[dreg:$0x2] =	wrdreg s24  }
0xaf: {  	[dreg:$0x3] =	wrdreg $0x49000  }
0xb0: {  	[dreg:$0x4] =	wrdreg $0x9  }
0xb1: {  	_ =	task.clear_ibuf [dreg:s6], $0x5FFFF;
	_ =	strace $0x90000049  }
0xb2: {  	s29 =	simm.s32 $0x9;
	_ =	strace $0x8000004B  }
0xb3: {  	_ =	swait.ge [sflag:s29], $0x1  }
0xb4: {  	[sflag:s29] =	ssyncadd.s32 $0xFFFFFFFF  }
0xb5: {  	_ =	strace $0x9000004B  }
0xb6: {  	_ =	sfence  }
0xb7: {  	s30 =	sld [smem:$0x0];
	_ =	sdelay $0x2  }
0xb8: {  	s31 =	sshll.u32 s1, $0xD;
	s1 =	sshrl.u32 s1, $0x2  }
0xb9: {  	s3 =	sand.u32 $0x4000, s31;
	s1 =	sadd.s32 s1, s30  }
0xba: {  	s0 =	sor.u32 s3, s0;
	s1 =	sshll.u32 s1, $0x11  }
0xbb: {  	s0 =	sor.u32 s1, s0  }
0xbc: {  	s0 =	sadd.s32 $0x8F2B, s0  }
0xbd: {  	[sflag:s0] =	ssyncadd.remote.s32 $0x1  }
0xbe: {  	_ =	sfence.sel $0xFFFF  }
0xbf: {  	[dreg:$0x0] =	wrdreg $0xFFFFFFFF;
	(pc) =	sbr.abs _section_cstart, $3  }
0xc0: {  	[dreg:$0x1] =	wrdreg $0xFFFFFFFF  }
0xc1: {  	_ =	task.clear_ibuf [dreg:s6], $0x2FFFF;
	_ =	strace $0x9FFFFFFF  }
0xc2: {  	(tm) =	ssettm $0x7FFFFFFF  }
0xc3: {  	_ =	shalt  }
tec
execute0_lowered:
.L_overlay_start_1:
0x0: {  	(tag) =	ssettag $0x1  }
0x1: {  	s6 =	rddreg [dreg:$0x0]  }
0x2: {  	s2 =	rddreg [dreg:$0x1]  }
0x3: {  	s0 =	srdreg.scid;
	s1 =	rddreg [dreg:$0x2]  }
0x4: {  	s3 =	simm.s32 $0x0;
	s12 =	simm.s32 $0x2;
	s5 =	sand.u32 $0x1, s0  }
0x5: {  	s13 =	simm.s32 $0x80;
	s0 =	stileid.u32;
	s4 =	smul.u32 $0x27800, s5  }
0x6: {  	s14 =	simm.s32 $0x100;
	s15 =	simm.s32 $0x1;
	s7 =	smul.u32 $0x2780, s0  }
0x7: {  	s16 =	simm.s32 $0x0;
	[smem:$0x7FF] =	sst s3;
	s8 =	smul.u32 $0x16800, s0  }
0x8: {  	s9 =	smul.u32 $0x168000, s5;
	_ =	strace $0x8000004A;
	s29 =	ssub.s32 $0x2, s5  }
0x9: {  	s5 =	sadd.s32 $0x38600, s6;
	s30 =	sshll.u32 s0, $0x6;
	s11 =	sshrl.u32 s29, $0x1  }
0xa: {  	s7 =	sadd.s32 s7, s4;
	s4 =	sadd.s32 $0x1800, s6;
	s28 =	sadd.s32 s8, s9  }
0xb: {  	s9 =	ssub.s32 s29, s11;
	s31 =	sadd.s32 s8, s2;
	s7 =	sshrl.u32 s7, $0x3  }
0xc: {  	s8 =	smax.u32 s9, $0x1;
	s10 =	sadd.s32 s7, s6;
	s7 =	sshrl.u32 s28, $0x3  }
0xd: {  	s11 =	sshrl.u32 s31, $0x3;
	s7 =	sadd.s32 s7, s6;
	s6 =	sor.u32 $0x1C02, s30  }
0xe: {  	s9 =	sadd.s32 $0x95400, s10;
	s10 =	sadd.s32 $0x9F200, s10;
	s7 =	sadd.s32 $0x3B400, s7  }
.LBB2_1:
0xf: {  	[spmem:s11], [sflag:s6] =	dma.local [hbm:s5], $0x2D00  }
0x10: {  	_ =	swait.ge [sflag:s12], $0x2D00  }
0x11: {  	[sflag:s12] =	ssyncset.done $0x0  }
0x12: {  	[sflag:s12] =	ssyncadd.s32 $0xFFFFD300  }
0x13: {  	s17 =	sadd.s32 $0x0, s10;
	[bflag:$0x0] =	sbarrier.arrive $0xFFFF  }
0x14: {  	[tilespmem:s3], [sflag:$0x2] =	stream.linear.gather [hbm4b:s17+s3], $0x80, $0x38;
	[tilespmem:$0x1B100] =	vst v63  }
0x15: {  	_ =	swait.ge [sflag:s12], $0x80  }
0x16: {  	[sflag:s12] =	ssyncset.done $0x0  }
0x17: {  	s31 =	sadd.s32 $0x0, s9;
	[sflag:s12] =	ssyncadd.s32 $0xFFFFFF80  }
0x18: {  	[tilespmem:s13], [sflag:$0x2] =	stream.linear.gather [hbm4b:s31+s3], $0x80, $0x38;
	[tilespmem:$0x1B100] =	vst v63  }
0x19: {  	_ =	swait.ge [sflag:s12], $0x80  }
0x1a: {  	[sflag:s12] =	ssyncset.done $0x0  }
0x1b: {  	[sflag:s12] =	ssyncadd.s32 $0xFFFFFF80  }
0x1c: {  	[tilespmem:s14], [sflag:$0x1] =	stream.indirect.gather [hbm4b:s4+s13], $0x90, s3, s13, $0xb8;
	[tilespmem:$0x1B100] =	vst v63  }
0x1d: {  	_ =	swait.ge [sflag:s15], $0x4800  }
0x1e: {  	[sflag:s15] =	ssyncset.done $0x0  }
0x1f: {  	[sflag:s15] =	ssyncadd.s32 $0xFFFFB800  }
0x20: {  	[spmem:s2] =	stream.indirect.scatter.add.f32 [tilespmem:s14], [sflag:$0x2], $0x90, s13, s13, $0xb8;
	[tilespmem:$0x1B100] =	vst v63  }
0x21: {  	_ =	swait.ge [sflag:s12], $0x4800  }
0x22: {  	s18 =	simm.s32 $0x20;
	s17 =	simm.s32 $0x10;
	[sflag:s12] =	ssyncset.done $0x0  }
.LBB2_2:
0x23: {  	s19 =	sadd.s32 s17, s10  }
0x24: {  	[sflag:s12] =	ssyncadd.s32 $0xFFFFB800;
	s20 =	smov.u32 s18;
	s21 =	sadd.s32 $0x10, s18  }
0x25: {  	[tilespmem:s3], [sflag:$0x2] =	stream.linear.gather [hbm4b:s19+s3], $0x80, $0x38;
	[tilespmem:$0x1B100] =	vst v63  }
0x26: {  	p0 =	sne.s32 s18, $0x4E0;
	_ =	swait.ge [sflag:s12], $0x80  }
0x27: {  	[sflag:s12] =	ssyncset.done $0x0  }
0x28: {  	s18 =	sadd.s32 s17, s9;
	s17 =	smov.u32 s20;
	[sflag:s12] =	ssyncadd.s32 $0xFFFFFF80  }
0x29: {  	[tilespmem:s13], [sflag:$0x2] =	stream.linear.gather [hbm4b:s18+s3], $0x80, $0x38;
	[tilespmem:$0x1B100] =	vst v63  }
0x2a: {  	_ =	swait.ge [sflag:s12], $0x80  }
0x2b: {  	[sflag:s12] =	ssyncset.done $0x0  }
0x2c: {  	[sflag:s12] =	ssyncadd.s32 $0xFFFFFF80  }
0x2d: {  	[tilespmem:s14], [sflag:$0x1] =	stream.indirect.gather [hbm4b:s4+s13], $0x90, s3, s13, $0xb8;
	[tilespmem:$0x1B100] =	vst v63  }
0x2e: {  	_ =	swait.ge [sflag:s15], $0x4800  }
.Ltmp0:
0x2f: {  	[sflag:s15] =	ssyncset.done $0x0;
	(pc) =	sbr.rel @p0 .LBB2_2-.Ltmp0, $4  }
0x30: {  	[sflag:s15] =	ssyncadd.s32 $0xFFFFB800  }
0x31: {  	[spmem:s2] =	stream.indirect.scatter.add.f32 [tilespmem:s14], [sflag:$0x2], $0x90, s13, s13, $0xb8;
	[tilespmem:$0x1B100] =	vst v63  }
0x32: {  	_ =	swait.ge [sflag:s12], $0x4800  }
0x33: {  	s18 =	smov.u32 s21;
	[sflag:s12] =	ssyncset.done $0x0  }
0x34: {  	s18 =	sadd.s32 s17, s10;
	[sflag:s12] =	ssyncadd.s32 $0xFFFFB800  }
0x35: {  	[tilespmem:s3], [sflag:$0x2] =	stream.linear.gather [hbm4b:s18+s3], $0x80, $0x38;
	[tilespmem:$0x1B100] =	vst v63  }
0x36: {  	_ =	swait.ge [sflag:s12], $0x80  }
0x37: {  	[sflag:s12] =	ssyncset.done $0x0  }
0x38: {  	s31 =	sadd.s32 s17, s9;
	[sflag:s12] =	ssyncadd.s32 $0xFFFFFF80  }
0x39: {  	[tilespmem:s13], [sflag:$0x2] =	stream.linear.gather [hbm4b:s31+s3], $0x80, $0x38;
	[tilespmem:$0x1B100] =	vst v63  }
0x3a: {  	_ =	swait.ge [sflag:s12], $0x80  }
0x3b: {  	[sflag:s12] =	ssyncset.done $0x0  }
0x3c: {  	[sflag:s12] =	ssyncadd.s32 $0xFFFFFF80  }
0x3d: {  	[tilespmem:s14], [sflag:$0x1] =	stream.indirect.gather [hbm4b:s4+s13], $0x90, s3, s13, $0xb8;
	[tilespmem:$0x1B100] =	vst v63  }
0x3e: {  	_ =	swait.ge [sflag:s15], $0x4800  }
0x3f: {  	[sflag:s15] =	ssyncset.done $0x0  }
0x40: {  	[sflag:s15] =	ssyncadd.s32 $0xFFFFB800  }
0x41: {  	[spmem:s2] =	stream.indirect.scatter.add.f32 [tilespmem:s14], [sflag:$0x2], $0x90, s13, s13, $0xb8;
	[tilespmem:$0x1B100] =	vst v63  }
0x42: {  	_ =	swait.ge [sflag:s12], $0x4800  }
0x43: {  	s16 =	sadd.s32 $0x1, s16;
	[sflag:s12] =	ssyncset.done $0x0  }
0x44: {  	p0 =	sne.s32 s16, s8;
	[sflag:s12] =	ssyncadd.s32 $0xFFFFB800  }
.Ltmp1:
0x45: {  	[bflag:$0x0] =	sbarrier.arrive $0xFFFF;
	(pc) =	sbr.rel @p0 .LBB2_1-.Ltmp1, $4  }
0x46: {  	[hbm:s7], [sflag:s6] =	dma.local [spmem:s11], $0x2D00  }
0x47: {  	_ =	swait.ge [sflag:s12], $0x2D00  }
0x48: {  	[sflag:s12] =	ssyncset.done $0x0  }
0x49: {  	[sflag:s12] =	ssyncadd.s32 $0xFFFFD300  }
0x4a: {  	_ =	sfence.sel $0x180000  }
0x4b: {  	[bflag:$0x0] =	sbarrier.arrive $0xFFFF  }
0x4c: {  	p0 =	sne.s32 s0, $0x0;
	_ =	strace $0x9000004A  }
0x4d: {  	s0 =	sadd.s32 @!p0 $0x100000, s1;
	[bflag:$0x2] =	sbarrier.arrive $0xFFFF  }
0x4e: {  	[sflag:s0] =	ssyncadd.tile.s32 @!p0 $0x1;
	_ =	shalt  }
.Lfunc_end2:
_tile_overlayer_lowered:
.L_overlay_start_2:
0x4f: {  	(tag) =	ssettag $0x2  }
0x50: {  	s0 =	rddreg [dreg:$0x0];
	s2 =	stileid.u32  }
0x51: {  	s1 =	rddreg [dreg:$0x1];
	p0 =	sne.s32 s2, $0x0  }
0x52: {  	s3 =	rddreg [dreg:$0x2];
	[bflag:$0x3] =	sbarrier.arrive $0xFFFF;
	s2 =	simm.s32 @!p0 $0x1C02  }
0x53: {  	[timem:s3], [sflag:s2] =	dma.local @!p0 [hbm:s0], s1  }
0x54: {  	s0 =	simm.s32 @!p0 $0x2  }
0x55: {  	_ =	swait.ge @!p0 [sflag:s0], s1  }
0x56: {  	s1 =	ssub.s32 @!p0 $0x0, s1;
	[sflag:s0] =	ssyncset.done @!p0 $0x0  }
0x57: {  	[sflag:s0] =	ssyncadd.s32 @!p0 s1  }
0x58: {  	[bflag:$0x3] =	sbarrier.arrive $0xFFFF  }
0x59: {  	_ =	shalt  }

// kernel: kernel.7.cloned.1.call-start
scs
__scs_entry_jumppad:
0x0: {  	(pc) =	sbr.rel $0x88, $3  }
0x1: {  	(tag) =	ssettag $0x0;
	lr =	simm.s32 $0x1  }
0x2: {  	[smem:$0x3F98] =	sst lr;
	_ =	strace $0xD0000000  }
0x3: {  	_ = 	snop  }
0x4: {  	_ = 	snop  }
0x5: {  	_ = 	snop  }
0x6: {  	_ = 	snop  }
0x7: {  	_ = 	snop  }
__scs_overlays_trampoline_lowered:
0x8: {  	[smem:$0x3FA7] =	sst s0  }
0x9: {  	[smem:$0x3FA8] =	sst s1  }
0xa: {  	[smem:$0x3FA9] =	sst s2  }
0xb: {  	[smem:$0x3FAA] =	sst s3  }
0xc: {  	[smem:$0x3FAB] =	sst s4  }
0xd: {  	[smem:$0x3FAC] =	sst s5  }
0xe: {  	[smem:$0x3FAD] =	sst s6  }
0xf: {  	[smem:$0x3FAE] =	sst s7  }
0x10: {  	[smem:$0x3FAF] =	sst s8  }
0x11: {  	[smem:$0x3FB0] =	sst s9;
	s0 =	simm.s32 @!p0 $0x0  }
0x12: {  	s1 =	sld [smem:$0x3F96];
	s0 =	simm.s32 @p0 $0x1  }
0x13: {  	[smem:$0x3FB1] =	sst s0;
	s0 =	simm.s32 @!p1 $0x0  }
0x14: {  	s2 =	sld [smem:$0x3F95];
	s0 =	simm.s32 @p1 $0x1  }
0x15: {  	[smem:$0x3FB2] =	sst s0;
	s0 =	simm.s32 @!p2 $0x0  }
0x16: {  	s3 =	sld [smem:$0x3FDB];
	s0 =	simm.s32 @p2 $0x1  }
0x17: {  	s4 =	simm.s32 $0x1BF5;
	[smem:$0x3FB4] =	sst s0  }
0x18: {  	s0 =	sld [smem:$0x3F97];
	_ =	swait.ge [sflag:s4], $0x0  }
0x19: {  	s7 =	sld [smem:$0x3F98]  }
0x1a: {  	s8 =	sadd.s32 $0xFFFFE003, lr  }
0x1b: {  	s9 =	sadd.s32 $0xFFFFFEF7, lr;
	s5 =	simm.s32 $0xFFFFFFFF;
	p2 =	slt.u32 s8, $0xFFFFF086  }
0x1c: {  	p1 =	slt.u32 s9, $0xF7A;
	s5 =	simm.s32 @!p2 $0x0  }
0x1d: {  	s5 =	simm.s32 @p1 $0x1;
	p0 =	seq.s32 s7, s2  }
0x1e: {  	s7 =	smul.u32 @!p0 $0xF7A, s2;
	p2 =	seq.s32 @!p0 s5, $0x0  }
0x1f: {  	s9 =	smul.u32 $0xF7A, s1;
	s8 =	simm.s32 @!p0 $0x1BF5;
	p2 =	por !p2, p0  }
0x20: {  	[sflag:s8] =	ssyncset.s32 @!p0 $0xFFFFF086;
	s6 =	sadd.s32 @!p0 s3, s7;
	s7 =	simm.s32 @!p0 $0x108  }
0x21: {  	s3 =	sadd.s32 s3, s9;
	s6 =	sadd.s32 @!p0 $0x88, s6;
	s7 =	simm.s32 @p2 $0x1082  }
0x22: {  	[simem:s7], [sflag:s8] =	dma.local @!p0 [hbm:s6], $0xF7A  }
0x23: {  	s9 =	sor.u32 $0xD0000000, s2;
	s6 =	simm.s32 $0x108;
	_ =	swait.ge @!p0 [sflag:s8], $0x0  }
0x24: {  	s3 =	sadd.s32 $0x88, s3;
	s6 =	simm.s32 @!p1 $0x1082;
	[sflag:s4] =	ssyncset.s32 $0xFFFFF086  }
0x25: {  	[simem:s6], [sflag:s4] =	dma.local [hbm:s3], $0xF7A  }
0x26: {  	[smem:$0x3F98] =	sst s1;
	(tag) =	ssettag s2;
	_ =	strace s9  }
0x27: {  	s1 =	sld [smem:$0x3FA8]  }
0x28: {  	s2 =	sld [smem:$0x3FA9]  }
0x29: {  	s4 =	sld [smem:$0x3FAB]  }
0x2a: {  	p0 =	seq.s32 s5, $0x0;
	s5 =	sld [smem:$0x3FAC]  }
0x2b: {  	s6 =	sld [smem:$0x3FAD]  }
0x2c: {  	s7 =	sld [smem:$0x3FAE]  }
0x2d: {  	s3 =	simm.s32 $0x108;
	s8 =	sld [smem:$0x3FAF]  }
0x2e: {  	s3 =	simm.s32 @!p0 $0x1082;
	s9 =	sld [smem:$0x3FB0]  }
0x2f: {  	lr =	sadd.s32 s0, s3;
	s0 =	sld [smem:$0x3FA7]  }
0x30: {  	s3 =	sld [smem:$0x3FAA]  }
0x31: {  	[smem:$0x3FB3] =	sst s10  }
0x32: {  	s10 =	sld [smem:$0x3FB1];
	_ =	sdelay $0x3  }
0x33: {  	p0 =	seq.s32 s10, $0x1;
	s10 =	sld [smem:$0x3FB3];
	_ =	sdelay $0x3  }
0x34: {  	[smem:$0x3FB3] =	sst s10  }
0x35: {  	s10 =	sld [smem:$0x3FB2];
	_ =	sdelay $0x3  }
0x36: {  	p1 =	seq.s32 s10, $0x1;
	s10 =	sld [smem:$0x3FB3];
	_ =	sdelay $0x3  }
0x37: {  	[smem:$0x3FB3] =	sst s10  }
0x38: {  	s10 =	sld [smem:$0x3FB4]  }
0x39: {  	_ = 	snop;
	(pc) =	sbr.ind lr, $3  }
0x3a: {  	_ = 	snop  }
0x3b: {  	_ = 	snop  }
0x3c: {  	p2 =	seq.s32 s10, $0x1;
	s10 =	sld [smem:$0x3FB3]  }
0x3d: {  	_ =	shalt  }
0x3e: {  	_ =	shalt  }
0x3f: {  	_ =	shalt  }
0x40: {  	_ =	shalt  }
0x41: {  	_ =	shalt  }
0x42: {  	_ =	shalt  }
0x43: {  	_ =	shalt  }
0x44: {  	_ =	shalt  }
0x45: {  	_ =	shalt  }
0x46: {  	_ =	shalt  }
0x47: {  	_ =	shalt  }
0x48: {  	_ =	shalt  }
0x49: {  	_ =	shalt  }
0x4a: {  	_ =	shalt  }
0x4b: {  	_ =	shalt  }
0x4c: {  	_ =	shalt  }
0x4d: {  	_ =	shalt  }
0x4e: {  	_ =	shalt  }
0x4f: {  	_ =	shalt  }
0x50: {  	_ =	shalt  }
0x51: {  	_ =	shalt  }
0x52: {  	_ =	shalt  }
0x53: {  	_ =	shalt  }
0x54: {  	_ =	shalt  }
0x55: {  	_ =	shalt  }
0x56: {  	_ =	shalt  }
0x57: {  	_ =	shalt  }
0x58: {  	_ =	shalt  }
0x59: {  	_ =	shalt  }
0x5a: {  	_ =	shalt  }
0x5b: {  	_ =	shalt  }
0x5c: {  	_ =	shalt  }
0x5d: {  	_ =	shalt  }
0x5e: {  	_ =	shalt  }
0x5f: {  	_ =	shalt  }
0x60: {  	_ =	shalt  }
0x61: {  	_ =	shalt  }
0x62: {  	_ =	shalt  }
0x63: {  	_ =	shalt  }
0x64: {  	_ =	shalt  }
0x65: {  	_ =	shalt  }
0x66: {  	_ =	shalt  }
0x67: {  	_ =	shalt  }
0x68: {  	_ =	shalt  }
0x69: {  	_ =	shalt  }
0x6a: {  	_ =	shalt  }
0x6b: {  	_ =	shalt  }
0x6c: {  	_ =	shalt  }
0x6d: {  	_ =	shalt  }
0x6e: {  	_ =	shalt  }
0x6f: {  	_ =	shalt  }
0x70: {  	_ =	shalt  }
0x71: {  	_ =	shalt  }
0x72: {  	_ =	shalt  }
0x73: {  	_ =	shalt  }
0x74: {  	_ =	shalt  }
0x75: {  	_ =	shalt  }
0x76: {  	_ =	shalt  }
0x77: {  	_ =	shalt  }
0x78: {  	_ =	shalt  }
0x79: {  	_ =	shalt  }
0x7a: {  	_ =	shalt  }
0x7b: {  	_ =	shalt  }
0x7c: {  	_ =	shalt  }
0x7d: {  	_ =	shalt  }
0x7e: {  	_ =	shalt  }
0x7f: {  	_ =	shalt  }
0x80: {  	_ =	shalt  }
0x81: {  	_ =	shalt  }
0x82: {  	_ =	shalt  }
0x83: {  	_ =	shalt  }
0x84: {  	_ =	shalt  }
0x85: {  	_ =	shalt  }
0x86: {  	_ =	shalt  }
0x87: {  	_ =	shalt  }
.Lfunc_end0:
.L_simem_size_0:
called_computation_lowered:
.L_overlay_start_0:
0x88: {  	s2 =	sld [smem:$0x3FD9]  }
0x89: {  	s3 =	sld [smem:$0x3FFE];
	_ =	sdelay $0x1  }
0x8a: {  	s1 =	srdreg.scid  }
0x8b: {  	s0 =	sand.u32 $0x1, s1  }
0x8c: {  	s17 =	sshll.u32 s0, $0xA;
	s2 =	sadd.s32 s3, s2  }
0x8d: {  	s2 =	sadd.s32 s2, s17  }
0x8e: {  	[smem:$0x3FBF] =	sst s2  }
0x8f: {  	_ = 	snop  }
0x90: {  	s2 =	sld [smem:$0x3FD0];
	(tm) =	ssettm $0x1  }
0x91: {  	s18 =	sld [smem:$0x3FFB];
	_ =	sdelay $0x3  }
0x92: {  	_ =	strace s18  }
0x93: {  	s3 =	sld [smem:$0x3FFC];
	_ =	sdelay $0x3  }
0x94: {  	_ =	strace s3  }
0x95: {  	s3 =	sld [smem:$0x3FFD];
	_ =	sdelay $0x3  }
0x96: {  	_ =	strace s3  }
0x97: {  	_ =	strace $0x8FFFFFFF  }
0x98: {  	s19 =	sld [smem:$0x3FDB];
	_ =	sdelay $0x1  }
0x99: {  	s4 =	simm.s32 $_scs_section_size  }
0x9a: {  	s5 =	simm.s32 $_size__tile_overlayer_lowered;
	s6 =	simm.s32 $_tile_overlayer_lowered  }
0x9b: {  	s22 =	simm.s32 $0x1BFF;
	s21 =	sshll.u32 s6, $0x1;
	s3 =	sadd.s32 s4, s19  }
0x9c: {  	s7 =	simm.s32 $0x0;
	s20 =	sshll.u32 s5, $0x1;
	s5 =	sadd.s32 s21, s3  }
0x9d: {  	[timem:s7], [sflag:s22] =	dma.local [hbm:s5], s20  }
0x9e: {  	_ =	swait.ge [sflag:s22], s20  }
0x9f: {  	s4 =	ssub.s32 $0x0, s20;
	[sflag:s22] =	ssyncset.done $0x0  }
0xa0: {  	[sflag:s22] =	ssyncadd.s32 s4;
	_ =	sdelay $0x1  }
0xa1: {  	s23 =	simm.s32 $0x1B8B  }
0xa2: {  	_ =	swait.ge [sflag:s23], $0x1  }
0xa3: {  	[sflag:s23] =	ssyncset.done $0x0  }
0xa4: {  	s25 =	simm.s32 $0x1B8E;
	s24 =	sld [smem:$0x3FFE];
	[sflag:s23] =	ssyncadd.s32 $0xFFFFFFFF  }
0xa5: {  	s26 =	simm.s32 $execute0_lowered;
	[smem:$0x3FD2] =	sst s25  }
0xa6: {  	s5 =	sshll.u32 s26, $0x1;
	_ =	strace $0x80000046;
	[dreg:$0x1] =	wrdreg $0xFFFFFFFF  }
0xa7: {  	s28 =	simm.s32 $_size_execute0_lowered;
	s3 =	sadd.s32 s3, s5;
	[dreg:$0x0] =	wrdreg $0x0  }
0xa8: {  	s5 =	sshll.u32 s28, $0x1;
	[dreg:$0x2] =	wrdreg s3  }
0xa9: {  	[dreg:$0x3] =	wrdreg s5  }
0xaa: {  	[dreg:$0x4] =	wrdreg $0xC0  }
0xab: {  	_ =	task [dreg:s7], $0x5FFFF  }
0xac: {  	[dreg:$0x1] =	wrdreg $0xFFFFFFFF  }
0xad: {  	[dreg:$0x0] =	wrdreg $0x60  }
0xae: {  	[dreg:$0x2] =	wrdreg s24  }
0xaf: {  	[dreg:$0x3] =	wrdreg s2  }
0xb0: {  	[dreg:$0x4] =	wrdreg $0x49000  }
0xb1: {  	[dreg:$0x5] =	wrdreg $0x9  }
0xb2: {  	_ =	task.clear_ibuf [dreg:s7], $0x6FFFF;
	_ =	strace $0x90000046  }
0xb3: {  	s29 =	simm.s32 $0x9;
	_ =	strace $0x80000048  }
0xb4: {  	_ =	swait.ge [sflag:s29], $0x1  }
0xb5: {  	[sflag:s29] =	ssyncadd.s32 $0xFFFFFFFF  }
0xb6: {  	_ =	strace $0x90000048  }
0xb7: {  	_ =	sfence  }
0xb8: {  	s30 =	sld [smem:$0x0];
	_ =	sdelay $0x2  }
0xb9: {  	s31 =	sshll.u32 s1, $0xD;
	s1 =	sshrl.u32 s1, $0x2  }
0xba: {  	s3 =	sand.u32 $0x4000, s31;
	s1 =	sadd.s32 s1, s30  }
0xbb: {  	s0 =	sor.u32 s3, s0;
	s1 =	sshll.u32 s1, $0x11  }
0xbc: {  	s0 =	sor.u32 s1, s0  }
0xbd: {  	s0 =	sadd.s32 $0x8F2B, s0  }
0xbe: {  	[sflag:s0] =	ssyncadd.remote.s32 $0x1  }
0xbf: {  	_ =	sfence.sel $0xFFFF  }
0xc0: {  	[dreg:$0x0] =	wrdreg $0xFFFFFFFF;
	(pc) =	sbr.abs _section_cstart, $3  }
0xc1: {  	[dreg:$0x1] =	wrdreg $0xFFFFFFFF  }
0xc2: {  	_ =	task.clear_ibuf [dreg:s7], $0x2FFFF;
	_ =	strace $0x9FFFFFFF  }
0xc3: {  	(tm) =	ssettm $0x7FFFFFFF  }
tec
execute0_lowered:
.L_overlay_start_1:
0x0: {  	(tag) =	ssettag $0x1  }
0x1: {  	s6 =	rddreg [dreg:$0x0]  }
0x2: {  	s10 =	rddreg [dreg:$0x1]  }
0x3: {  	s0 =	srdreg.scid;
	s2 =	rddreg [dreg:$0x2]  }
0x4: {  	s1 =	rddreg [dreg:$0x3];
	s5 =	sand.u32 $0x1, s0  }
0x5: {  	s0 =	stileid.u32;
	s4 =	smul.u32 $0x27800, s5  }
0x6: {  	s3 =	simm.s32 $0x0;
	s14 =	simm.s32 $0x100;
	s7 =	smul.u32 $0x2780, s0  }
0x7: {  	s15 =	simm.s32 $0x1;
	[smem:$0x7FF] =	sst s3;
	s8 =	smul.u32 $0x16800, s0  }
0x8: {  	s16 =	simm.s32 $0x0;
	s9 =	smul.u32 $0x168000, s5;
	_ =	strace $0x80000047  }
0x9: {  	s29 =	ssub.s32 $0x2, s5;
	s5 =	sadd.s32 $0x38600, s6;
	s30 =	sshll.u32 s0, $0x6  }
0xa: {  	s13 =	sshrl.u32 s29, $0x1;
	s7 =	sadd.s32 s7, s4;
	s4 =	sadd.s32 $0x1800, s6  }
0xb: {  	s28 =	sadd.s32 s8, s9;
	s9 =	ssub.s32 s29, s13;
	s31 =	sadd.s32 s8, s2  }
0xc: {  	s13 =	simm.s32 $0x80;
	s11 =	sshrl.u32 s7, $0x3;
	s7 =	sshrl.u32 s28, $0x3  }
0xd: {  	s8 =	smax.u32 s9, $0x1;
	s12 =	sadd.s32 s11, s6;
	s7 =	sadd.s32 s7, s6  }
0xe: {  	s6 =	sor.u32 $0x1C02, s30;
	s10 =	sadd.s32 s11, s10;
	s11 =	sshrl.u32 s31, $0x3  }
0xf: {  	s7 =	sadd.s32 $0x3B400, s7;
	s9 =	sadd.s32 $0x2E800, s12;
	s12 =	simm.s32 $0x2  }
.LBB2_1:
0x10: {  	[spmem:s11], [sflag:s6] =	dma.local [hbm:s5], $0x2D00  }
0x11: {  	_ =	swait.ge [sflag:s12], $0x2D00  }
0x12: {  	[sflag:s12] =	ssyncset.done $0x0  }
0x13: {  	[sflag:s12] =	ssyncadd.s32 $0xFFFFD300  }
0x14: {  	s17 =	sadd.s32 $0x0, s10;
	[bflag:$0x0] =	sbarrier.arrive $0xFFFF  }
0x15: {  	[tilespmem:s3], [sflag:$0x2] =	stream.linear.gather [hbm4b:s17+s3], $0x80, $0x38;
	[tilespmem:$0x1B100] =	vst v63  }
0x16: {  	_ =	swait.ge [sflag:s12], $0x80  }
0x17: {  	[sflag:s12] =	ssyncset.done $0x0  }
0x18: {  	s31 =	sadd.s32 $0x0, s9;
	[sflag:s12] =	ssyncadd.s32 $0xFFFFFF80  }
0x19: {  	[tilespmem:s13], [sflag:$0x2] =	stream.linear.gather [hbm4b:s31+s3], $0x80, $0x38;
	[tilespmem:$0x1B100] =	vst v63  }
0x1a: {  	_ =	swait.ge [sflag:s12], $0x80  }
0x1b: {  	[sflag:s12] =	ssyncset.done $0x0  }
0x1c: {  	[sflag:s12] =	ssyncadd.s32 $0xFFFFFF80  }
0x1d: {  	[tilespmem:s14], [sflag:$0x1] =	stream.indirect.gather [hbm4b:s4+s13], $0x90, s3, s13, $0xb8;
	[tilespmem:$0x1B100] =	vst v63  }
0x1e: {  	_ =	swait.ge [sflag:s15], $0x4800  }
0x1f: {  	[sflag:s15] =	ssyncset.done $0x0  }
0x20: {  	[sflag:s15] =	ssyncadd.s32 $0xFFFFB800  }
0x21: {  	[spmem:s2] =	stream.indirect.scatter.add.f32 [tilespmem:s14], [sflag:$0x2], $0x90, s13, s13, $0xb8;
	[tilespmem:$0x1B100] =	vst v63  }
0x22: {  	_ =	swait.ge [sflag:s12], $0x4800  }
0x23: {  	s18 =	simm.s32 $0x20;
	s17 =	simm.s32 $0x10;
	[sflag:s12] =	ssyncset.done $0x0  }
.LBB2_2:
0x24: {  	s19 =	sadd.s32 s17, s10  }
0x25: {  	[sflag:s12] =	ssyncadd.s32 $0xFFFFB800;
	s20 =	smov.u32 s18;
	s21 =	sadd.s32 $0x10, s18  }
0x26: {  	[tilespmem:s3], [sflag:$0x2] =	stream.linear.gather [hbm4b:s19+s3], $0x80, $0x38;
	[tilespmem:$0x1B100] =	vst v63  }
0x27: {  	p0 =	sne.s32 s18, $0x4E0;
	_ =	swait.ge [sflag:s12], $0x80  }
0x28: {  	[sflag:s12] =	ssyncset.done $0x0  }
0x29: {  	s18 =	sadd.s32 s17, s9;
	s17 =	smov.u32 s20;
	[sflag:s12] =	ssyncadd.s32 $0xFFFFFF80  }
0x2a: {  	[tilespmem:s13], [sflag:$0x2] =	stream.linear.gather [hbm4b:s18+s3], $0x80, $0x38;
	[tilespmem:$0x1B100] =	vst v63  }
0x2b: {  	_ =	swait.ge [sflag:s12], $0x80  }
0x2c: {  	[sflag:s12] =	ssyncset.done $0x0  }
0x2d: {  	[sflag:s12] =	ssyncadd.s32 $0xFFFFFF80  }
0x2e: {  	[tilespmem:s14], [sflag:$0x1] =	stream.indirect.gather [hbm4b:s4+s13], $0x90, s3, s13, $0xb8;
	[tilespmem:$0x1B100] =	vst v63  }
0x2f: {  	_ =	swait.ge [sflag:s15], $0x4800  }
.Ltmp0:
0x30: {  	[sflag:s15] =	ssyncset.done $0x0;
	(pc) =	sbr.rel @p0 .LBB2_2-.Ltmp0, $4  }
0x31: {  	[sflag:s15] =	ssyncadd.s32 $0xFFFFB800  }
0x32: {  	[spmem:s2] =	stream.indirect.scatter.add.f32 [tilespmem:s14], [sflag:$0x2], $0x90, s13, s13, $0xb8;
	[tilespmem:$0x1B100] =	vst v63  }
0x33: {  	_ =	swait.ge [sflag:s12], $0x4800  }
0x34: {  	s18 =	smov.u32 s21;
	[sflag:s12] =	ssyncset.done $0x0  }
0x35: {  	s18 =	sadd.s32 s17, s10;
	[sflag:s12] =	ssyncadd.s32 $0xFFFFB800  }
0x36: {  	[tilespmem:s3], [sflag:$0x2] =	stream.linear.gather [hbm4b:s18+s3], $0x80, $0x38;
	[tilespmem:$0x1B100] =	vst v63  }
0x37: {  	_ =	swait.ge [sflag:s12], $0x80  }
0x38: {  	[sflag:s12] =	ssyncset.done $0x0  }
0x39: {  	s31 =	sadd.s32 s17, s9;
	[sflag:s12] =	ssyncadd.s32 $0xFFFFFF80  }
0x3a: {  	[tilespmem:s13], [sflag:$0x2] =	stream.linear.gather [hbm4b:s31+s3], $0x80, $0x38;
	[tilespmem:$0x1B100] =	vst v63  }
0x3b: {  	_ =	swait.ge [sflag:s12], $0x80  }
0x3c: {  	[sflag:s12] =	ssyncset.done $0x0  }
0x3d: {  	[sflag:s12] =	ssyncadd.s32 $0xFFFFFF80  }
0x3e: {  	[tilespmem:s14], [sflag:$0x1] =	stream.indirect.gather [hbm4b:s4+s13], $0x90, s3, s13, $0xb8;
	[tilespmem:$0x1B100] =	vst v63  }
0x3f: {  	_ =	swait.ge [sflag:s15], $0x4800  }
0x40: {  	[sflag:s15] =	ssyncset.done $0x0  }
0x41: {  	[sflag:s15] =	ssyncadd.s32 $0xFFFFB800  }
0x42: {  	[spmem:s2] =	stream.indirect.scatter.add.f32 [tilespmem:s14], [sflag:$0x2], $0x90, s13, s13, $0xb8;
	[tilespmem:$0x1B100] =	vst v63  }
0x43: {  	_ =	swait.ge [sflag:s12], $0x4800  }
0x44: {  	s16 =	sadd.s32 $0x1, s16;
	[sflag:s12] =	ssyncset.done $0x0  }
0x45: {  	p0 =	sne.s32 s16, s8;
	[sflag:s12] =	ssyncadd.s32 $0xFFFFB800  }
.Ltmp1:
0x46: {  	[bflag:$0x0] =	sbarrier.arrive $0xFFFF;
	(pc) =	sbr.rel @p0 .LBB2_1-.Ltmp1, $4  }
0x47: {  	[hbm:s7], [sflag:s6] =	dma.local [spmem:s11], $0x2D00  }
0x48: {  	_ =	swait.ge [sflag:s12], $0x2D00  }
0x49: {  	[sflag:s12] =	ssyncset.done $0x0  }
0x4a: {  	[sflag:s12] =	ssyncadd.s32 $0xFFFFD300  }
0x4b: {  	_ =	sfence.sel $0x180000  }
0x4c: {  	[bflag:$0x0] =	sbarrier.arrive $0xFFFF  }
0x4d: {  	p0 =	sne.s32 s0, $0x0;
	_ =	strace $0x90000047  }
0x4e: {  	s0 =	sadd.s32 @!p0 $0x100000, s1;
	[bflag:$0x2] =	sbarrier.arrive $0xFFFF  }
0x4f: {  	[sflag:s0] =	ssyncadd.tile.s32 @!p0 $0x1;
	_ =	shalt  }
.Lfunc_end2:
_tile_overlayer_lowered:
.L_overlay_start_2:
0x50: {  	(tag) =	ssettag $0x2  }
0x51: {  	s0 =	rddreg [dreg:$0x0];
	s2 =	stileid.u32  }
0x52: {  	s1 =	rddreg [dreg:$0x1];
	p0 =	sne.s32 s2, $0x0  }
0x53: {  	s3 =	rddreg [dreg:$0x2];
	[bflag:$0x3] =	sbarrier.arrive $0xFFFF;
	s2 =	simm.s32 @!p0 $0x1C02  }
0x54: {  	[timem:s3], [sflag:s2] =	dma.local @!p0 [hbm:s0], s1  }
0x55: {  	s0 =	simm.s32 @!p0 $0x2  }
0x56: {  	_ =	swait.ge @!p0 [sflag:s0], s1  }
0x57: {  	s1 =	ssub.s32 @!p0 $0x0, s1;
	[sflag:s0] =	ssyncset.done @!p0 $0x0  }
0x58: {  	[sflag:s0] =	ssyncadd.s32 @!p0 s1  }
0x59: {  	[bflag:$0x3] =	sbarrier.arrive $0xFFFF  }
0x5a: {  	_ =	shalt  }

</sc_bundles>
